<compile_context>
chip_gen: v7x
topology: tpu7x:2x2x1
jax: 0.10.2.dev20260603
libtpu: 0.0.44.dev20260713+nightly
codegen_flags: <defaults>
</compile_context>

<pallas_src>
import functools

import jax
import jax.numpy as jnp
from jax import lax
from jax.experimental import pallas as pl
from jax.experimental.pallas import tpu as pltpu
from jax.experimental.pallas import tpu_sc as plsc

_VOCAB = 32000
_D = 2048
_NTOK = 4 * 2048

_NC, _NS = 2, 16
_NW = _NC * _NS

_CHUNKS = (3584, 4608)
_CH = 16
_NBUF = 3


def _sc_gather(table, idx, tpc):
    mesh = plsc.VectorSubcoreMesh(core_axis_name="c", subcore_axis_name="s")
    b_per_w = tpc // _NW
    nch = b_per_w // _CH

    @functools.partial(
        pl.kernel,
        mesh=mesh,
        out_type=jax.ShapeDtypeStruct((tpc, _D), jnp.float32),
        scratch_types=(
            [pltpu.VMEM((b_per_w,), jnp.int32)]
            + [pltpu.VMEM((_CH, _D), jnp.float32) for _ in range(_NBUF)]
            + [pltpu.SemaphoreType.DMA for _ in range(2 * _NBUF)]
        ),
    )
    def gather_kernel(table_hbm, idx_hbm, out_hbm, idx_v, *scratch):
        bufs = scratch[:_NBUF]
        gs = scratch[_NBUF:2 * _NBUF]
        os = scratch[2 * _NBUF:]
        wid = lax.axis_index("s") * _NC + lax.axis_index("c")
        base = wid * b_per_w
        pltpu.sync_copy(idx_hbm.at[pl.ds(base, b_per_w)], idx_v)

        def gather_in(j, b):
            return pltpu.make_async_copy(
                table_hbm.at[idx_v.at[pl.ds(j * _CH, _CH)]], bufs[b], gs[b])

        def write_out(j, b):
            return pltpu.make_async_copy(
                bufs[b], out_hbm.at[pl.ds(base + j * _CH, _CH)], os[b])

        for b in range(min(_NBUF, nch)):
            gather_in(b, b).start()
        for j in range(nch):
            b = j % _NBUF
            gather_in(j, b).wait()
            write_out(j, b).start()
            if j + _NBUF < nch:
                write_out(j, b).wait()
                gather_in(j + _NBUF, b).start()
        for j in range(max(nch - _NBUF, 0), nch):
            write_out(j, j % _NBUF).wait()

    return gather_kernel(table, idx)


def _tc_project(x, wt, bias, tok_base, prev):
    bm = 512
    tpc = x.shape[0]
    base = tok_base // bm

    nk = 4
    kw = _D // nk

    def mm_kernel(*refs):
        x_ref, wt_ref, b_ref = refs[0], refs[1], refs[2]
        o_ref = refs[-1]
        acc = None
        for t in range(nk):
            xb = x_ref[:, t * kw:(t + 1) * kw].astype(jnp.bfloat16)
            p = jnp.dot(xb, wt_ref[t * kw:(t + 1) * kw, :],
                        preferred_element_type=jnp.float32)
            acc = p if acc is None else acc + p
        o_ref[...] = acc + b_ref[...]

    in_specs = [
        pl.BlockSpec((bm, _D), lambda i: (i, 0)),
        pl.BlockSpec((_D, _D), lambda i: (0, 0)),
        pl.BlockSpec((1, _D), lambda i: (0, 0)),
    ]
    args = [x, wt, bias]
    kwargs = {}
    if prev is not None:
        in_specs.append(pl.BlockSpec(memory_space=pltpu.MemorySpace.HBM))
        args.append(prev)
        kwargs["input_output_aliases"] = {3: 0}
    return pl.pallas_call(
        mm_kernel,
        grid=(tpc // bm,),
        in_specs=in_specs,
        out_specs=pl.BlockSpec((bm, _D), lambda i: (base + i, 0)),
        out_shape=jax.ShapeDtypeStruct((_NTOK, _D), jnp.float32),
        **kwargs,
    )(*args)


def kernel(input_tensor, embedding_table, proj_W, proj_b):
    b, s = input_tensor.shape
    idx = input_tensor.reshape(-1).astype(jnp.int32)
    wt = proj_W.T.astype(jnp.bfloat16)
    bias = proj_b.reshape(1, -1)
    out = None
    tok_base = 0
    for tpc in _CHUNKS:
        g = _sc_gather(embedding_table, idx[tok_base:tok_base + tpc], tpc)
        out = _tc_project(g, wt, bias, tok_base, out)
        tok_base += tpc
    return out.reshape(b, s, -1)

# --- scband reference (transcript-rebuilt; emitter-appended) ---
"""Pipeline reference for scband-combine-net-12833362280978 (READ-ONLY COPY).

The authoritative reference and input builder live on the scoring server;
editing this copy changes nothing except your own understanding.
"""

import jax, jax.numpy as jnp
import numpy as np

VOCAB = 32000
D_MODEL = 2048
D_OUT = 2048
BATCH = 4
SEQ = 2048

def setup_inputs(seed: int = 0) -> dict:
    key = jax.random.key(seed)
    k_idx, k_tab, k_w, k_b = jax.random.split(key, 4)
    input_tensor = jax.random.randint(k_idx, (BATCH, SEQ), 0, VOCAB, dtype=jnp.int64)
    # learned parameters
    embedding_table = jax.random.normal(k_tab, (VOCAB, D_MODEL), dtype=jnp.float32) * 0.02
    proj_W = jax.random.normal(k_w, (D_OUT, D_MODEL), dtype=jnp.float32) * 0.02
    proj_b = jnp.zeros((D_OUT,), dtype=jnp.float32)
    return {"input_tensor": input_tensor, "embedding_table": embedding_table, "proj_W": proj_W, "proj_b": proj_b}

def reference(input_tensor, embedding_table, proj_W, proj_b):
    # embedding = self.embedding_net.embedding(input_tensor)
    embedding = jnp.take(embedding_table, input_tensor, axis=0)  # [B, S, D_MODEL]
    # out = self.projection_net(embedding)  (nn.Linear)
    out = jnp.einsum('bsd,od->bso', embedding, proj_W) + proj_b
    return out

if __name__ == "__main__":
    import jax
    _d = setup_inputs()
    print(jax.jit(kernel)(*tuple(_d.values())))

</pallas_src>

<mosaic_0001>
#map = affine_map<(d0, d1) -> (0, 0)>
#map1 = affine_map<(d0, d1) -> (0)>
module attributes {stable_mosaic.version = 14 : i64} {
  func.func @gather_kernel(%arg0: i32, %arg1: i32, %arg2: memref<32000x2048xf32, #tpu.memory_space<hbm>>, %arg3: memref<4608xi32, #tpu.memory_space<hbm>>, %arg4: memref<4608x2048xf32, #tpu.memory_space<hbm>>, %arg5: memref<144xi32, #tpu.memory_space<vmem>>, %arg6: memref<16x2048xf32, #tpu.memory_space<vmem>>, %arg7: memref<16x2048xf32, #tpu.memory_space<vmem>>, %arg8: memref<16x2048xf32, #tpu.memory_space<vmem>>, %arg9: memref<!tpu.dma_semaphore, #tpu.memory_space<semaphore_mem>>, %arg10: memref<!tpu.dma_semaphore, #tpu.memory_space<semaphore_mem>>, %arg11: memref<!tpu.dma_semaphore, #tpu.memory_space<semaphore_mem>>, %arg12: memref<!tpu.dma_semaphore, #tpu.memory_space<semaphore_mem>>, %arg13: memref<!tpu.dma_semaphore, #tpu.memory_space<semaphore_mem>>, %arg14: memref<!tpu.dma_semaphore, #tpu.memory_space<semaphore_mem>>) attributes {dimension_semantics = [#tpu.dimension_semantics<core_parallel>, #tpu.dimension_semantics<subcore_parallel>], iteration_bounds = array<i64: 2, 16>, scalar_prefetch = 0 : i64, scratch_operands = 10 : i64, tpu.core_type = #tpu.core_type<sc_vector_subcore>, window_params = [{transform_indices = #map}, {transform_indices = #map1}, {transform_indices = #map}]} {
    %mul3A = arith.constant 2 : i32
    %mul3A_0 = arith.muli %arg1, %mul3A : i32
    %add3A = arith.addi %mul3A_0, %arg0 : i32
    %mul3A_1 = arith.constant 144 : i32
    %mul3A_2 = arith.muli %add3A, %mul3A_1 : i32
    "tpu.region"() ({
      %run_scoped3A = tpu.sem_alloc : memref<!tpu.dma_semaphore, #tpu.memory_space<semaphore_mem>>
      %dma_start3A_199 = tpu.memref_slice %arg3[%mul3A_2] : memref<4608xi32, #tpu.memory_space<hbm>> -> memref<144xi32, #tpu.memory_space<hbm>>
      %dma_start3A_200 = tpu.memref_slice %arg3[%mul3A_2] : memref<4608xi32, #tpu.memory_space<hbm>> -> memref<144xi32, #tpu.memory_space<hbm>>
      tpu.enqueue_dma source(%dma_start3A_200 : memref<144xi32, #tpu.memory_space<hbm>>) target(%arg5 : memref<144xi32, #tpu.memory_space<vmem>>) target_semaphore(%run_scoped3A : memref<!tpu.dma_semaphore, #tpu.memory_space<semaphore_mem>>)
      %dma_wait3A_201 = tpu.memref_slice %arg3[%mul3A_2] : memref<4608xi32, #tpu.memory_space<hbm>> -> memref<144xi32, #tpu.memory_space<hbm>>
      %dma_wait3A_202 = tpu.memref_slice %arg3[%mul3A_2] : memref<4608xi32, #tpu.memory_space<hbm>> -> memref<144xi32, #tpu.memory_space<hbm>>
      tpu.wait_dma2 semaphore(%run_scoped3A : memref<!tpu.dma_semaphore, #tpu.memory_space<semaphore_mem>>) src(%dma_wait3A_202 : memref<144xi32, #tpu.memory_space<hbm>>) dst(%arg5 : memref<144xi32, #tpu.memory_space<vmem>>)
      tpu.yield
    }) : () -> ()
    %dma_start3A = arith.constant 0 : i32
    %dma_start3A_3 = tpu.memref_slice %arg5[%dma_start3A] : memref<144xi32, #tpu.memory_space<vmem>> -> memref<16xi32, #tpu.memory_space<vmem>>
    %dma_start3A_4 = arith.constant 0 : i32
    %dma_start3A_5 = arith.constant 0 : i32
    %dma_start3A_6 = tpu.memref_slice %arg2[%dma_start3A_4, %dma_start3A_5] : memref<32000x2048xf32, #tpu.memory_space<hbm>> -> memref<32000x2048xf32, #tpu.memory_space<hbm>>
    tpu.enqueue_indirect_dma source(%dma_start3A_6 : memref<32000x2048xf32, #tpu.memory_space<hbm>>) target(%arg6 : memref<16x2048xf32, #tpu.memory_space<vmem>>) offsets(%dma_start3A_3 : memref<16xi32, #tpu.memory_space<vmem>>) semaphore(%arg9 : memref<!tpu.dma_semaphore, #tpu.memory_space<semaphore_mem>>)
    %dma_start3A_7 = arith.constant 16 : i32
    %dma_start3A_8 = tpu.memref_slice %arg5[%dma_start3A_7] : memref<144xi32, #tpu.memory_space<vmem>> -> memref<16xi32, #tpu.memory_space<vmem>>
    %dma_start3A_9 = arith.constant 0 : i32
    %dma_start3A_10 = arith.constant 0 : i32
    %dma_start3A_11 = tpu.memref_slice %arg2[%dma_start3A_9, %dma_start3A_10] : memref<32000x2048xf32, #tpu.memory_space<hbm>> -> memref<32000x2048xf32, #tpu.memory_space<hbm>>
    tpu.enqueue_indirect_dma source(%dma_start3A_11 : memref<32000x2048xf32, #tpu.memory_space<hbm>>) target(%arg7 : memref<16x2048xf32, #tpu.memory_space<vmem>>) offsets(%dma_start3A_8 : memref<16xi32, #tpu.memory_space<vmem>>) semaphore(%arg10 : memref<!tpu.dma_semaphore, #tpu.memory_space<semaphore_mem>>)
    %dma_start3A_12 = arith.constant 32 : i32
    %dma_start3A_13 = tpu.memref_slice %arg5[%dma_start3A_12] : memref<144xi32, #tpu.memory_space<vmem>> -> memref<16xi32, #tpu.memory_space<vmem>>
    %dma_start3A_14 = arith.constant 0 : i32
    %dma_start3A_15 = arith.constant 0 : i32
    %dma_start3A_16 = tpu.memref_slice %arg2[%dma_start3A_14, %dma_start3A_15] : memref<32000x2048xf32, #tpu.memory_space<hbm>> -> memref<32000x2048xf32, #tpu.memory_space<hbm>>
    tpu.enqueue_indirect_dma source(%dma_start3A_16 : memref<32000x2048xf32, #tpu.memory_space<hbm>>) target(%arg8 : memref<16x2048xf32, #tpu.memory_space<vmem>>) offsets(%dma_start3A_13 : memref<16xi32, #tpu.memory_space<vmem>>) semaphore(%arg11 : memref<!tpu.dma_semaphore, #tpu.memory_space<semaphore_mem>>)
    %dma_wait3A = arith.constant 0 : i32
    %dma_wait3A_17 = tpu.memref_slice %arg5[%dma_wait3A] : memref<144xi32, #tpu.memory_space<vmem>> -> memref<16xi32, #tpu.memory_space<vmem>>
    %dma_wait3A_18 = arith.constant 0 : i32
    %dma_wait3A_19 = arith.constant 0 : i32
    %dma_wait3A_20 = tpu.memref_slice %arg2[%dma_wait3A_18, %dma_wait3A_19] : memref<32000x2048xf32, #tpu.memory_space<hbm>> -> memref<32000x2048xf32, #tpu.memory_space<hbm>>
    tpu.wait_indirect_dma semaphore(%arg9 : memref<!tpu.dma_semaphore, #tpu.memory_space<semaphore_mem>>) src(%dma_wait3A_20 : memref<32000x2048xf32, #tpu.memory_space<hbm>>) dst(%arg6 : memref<16x2048xf32, #tpu.memory_space<vmem>>)
    %add3A_21 = arith.constant 0 : i32
    %add3A_22 = arith.addi %mul3A_2, %add3A_21 : i32
    %dma_start3A_23 = arith.constant 0 : i32
    %dma_start3A_24 = tpu.memref_slice %arg4[%add3A_22, %dma_start3A_23] : memref<4608x2048xf32, #tpu.memory_space<hbm>> -> memref<16x2048xf32, #tpu.memory_space<hbm>>
    %dma_start3A_25 = arith.constant 0 : i32
    %dma_start3A_26 = tpu.memref_slice %arg4[%add3A_22, %dma_start3A_25] : memref<4608x2048xf32, #tpu.memory_space<hbm>> -> memref<16x2048xf32, #tpu.memory_space<hbm>>
    tpu.enqueue_dma source(%arg6 : memref<16x2048xf32, #tpu.memory_space<vmem>>) target(%dma_start3A_26 : memref<16x2048xf32, #tpu.memory_space<hbm>>) target_semaphore(%arg12 : memref<!tpu.dma_semaphore, #tpu.memory_space<semaphore_mem>>)
    %add3A_27 = arith.constant 0 : i32
    %add3A_28 = arith.addi %mul3A_2, %add3A_27 : i32
    %dma_wait3A_29 = arith.constant 0 : i32
    %dma_wait3A_30 = tpu.memref_slice %arg4[%add3A_28, %dma_wait3A_29] : memref<4608x2048xf32, #tpu.memory_space<hbm>> -> memref<16x2048xf32, #tpu.memory_space<hbm>>
    %dma_wait3A_31 = arith.constant 0 : i32
    %dma_wait3A_32 = tpu.memref_slice %arg4[%add3A_28, %dma_wait3A_31] : memref<4608x2048xf32, #tpu.memory_space<hbm>> -> memref<16x2048xf32, #tpu.memory_space<hbm>>
    tpu.wait_dma2 semaphore(%arg12 : memref<!tpu.dma_semaphore, #tpu.memory_space<semaphore_mem>>) src(%arg6 : memref<16x2048xf32, #tpu.memory_space<vmem>>) dst(%dma_wait3A_32 : memref<16x2048xf32, #tpu.memory_space<hbm>>)
    %dma_start3A_33 = arith.constant 48 : i32
    %dma_start3A_34 = tpu.memref_slice %arg5[%dma_start3A_33] : memref<144xi32, #tpu.memory_space<vmem>> -> memref<16xi32, #tpu.memory_space<vmem>>
    %dma_start3A_35 = arith.constant 0 : i32
    %dma_start3A_36 = arith.constant 0 : i32
    %dma_start3A_37 = tpu.memref_slice %arg2[%dma_start3A_35, %dma_start3A_36] : memref<32000x2048xf32, #tpu.memory_space<hbm>> -> memref<32000x2048xf32, #tpu.memory_space<hbm>>
    tpu.enqueue_indirect_dma source(%dma_start3A_37 : memref<32000x2048xf32, #tpu.memory_space<hbm>>) target(%arg6 : memref<16x2048xf32, #tpu.memory_space<vmem>>) offsets(%dma_start3A_34 : memref<16xi32, #tpu.memory_space<vmem>>) semaphore(%arg9 : memref<!tpu.dma_semaphore, #tpu.memory_space<semaphore_mem>>)
    %dma_wait3A_38 = arith.constant 16 : i32
    %dma_wait3A_39 = tpu.memref_slice %arg5[%dma_wait3A_38] : memref<144xi32, #tpu.memory_space<vmem>> -> memref<16xi32, #tpu.memory_space<vmem>>
    %dma_wait3A_40 = arith.constant 0 : i32
    %dma_wait3A_41 = arith.constant 0 : i32
    %dma_wait3A_42 = tpu.memref_slice %arg2[%dma_wait3A_40, %dma_wait3A_41] : memref<32000x2048xf32, #tpu.memory_space<hbm>> -> memref<32000x2048xf32, #tpu.memory_space<hbm>>
    tpu.wait_indirect_dma semaphore(%arg10 : memref<!tpu.dma_semaphore, #tpu.memory_space<semaphore_mem>>) src(%dma_wait3A_42 : memref<32000x2048xf32, #tpu.memory_space<hbm>>) dst(%arg7 : memref<16x2048xf32, #tpu.memory_space<vmem>>)
    %add3A_43 = arith.constant 16 : i32
    %add3A_44 = arith.addi %mul3A_2, %add3A_43 : i32
    %dma_start3A_45 = arith.constant 0 : i32
    %dma_start3A_46 = tpu.memref_slice %arg4[%add3A_44, %dma_start3A_45] : memref<4608x2048xf32, #tpu.memory_space<hbm>> -> memref<16x2048xf32, #tpu.memory_space<hbm>>
    %dma_start3A_47 = arith.constant 0 : i32
    %dma_start3A_48 = tpu.memref_slice %arg4[%add3A_44, %dma_start3A_47] : memref<4608x2048xf32, #tpu.memory_space<hbm>> -> memref<16x2048xf32, #tpu.memory_space<hbm>>
    tpu.enqueue_dma source(%arg7 : memref<16x2048xf32, #tpu.memory_space<vmem>>) target(%dma_start3A_48 : memref<16x2048xf32, #tpu.memory_space<hbm>>) target_semaphore(%arg13 : memref<!tpu.dma_semaphore, #tpu.memory_space<semaphore_mem>>)
    %add3A_49 = arith.constant 16 : i32
    %add3A_50 = arith.addi %mul3A_2, %add3A_49 : i32
    %dma_wait3A_51 = arith.constant 0 : i32
    %dma_wait3A_52 = tpu.memref_slice %arg4[%add3A_50, %dma_wait3A_51] : memref<4608x2048xf32, #tpu.memory_space<hbm>> -> memref<16x2048xf32, #tpu.memory_space<hbm>>
    %dma_wait3A_53 = arith.constant 0 : i32
    %dma_wait3A_54 = tpu.memref_slice %arg4[%add3A_50, %dma_wait3A_53] : memref<4608x2048xf32, #tpu.memory_space<hbm>> -> memref<16x2048xf32, #tpu.memory_space<hbm>>
    tpu.wait_dma2 semaphore(%arg13 : memref<!tpu.dma_semaphore, #tpu.memory_space<semaphore_mem>>) src(%arg7 : memref<16x2048xf32, #tpu.memory_space<vmem>>) dst(%dma_wait3A_54 : memref<16x2048xf32, #tpu.memory_space<hbm>>)
    %dma_start3A_55 = arith.constant 64 : i32
    %dma_start3A_56 = tpu.memref_slice %arg5[%dma_start3A_55] : memref<144xi32, #tpu.memory_space<vmem>> -> memref<16xi32, #tpu.memory_space<vmem>>
    %dma_start3A_57 = arith.constant 0 : i32
    %dma_start3A_58 = arith.constant 0 : i32
    %dma_start3A_59 = tpu.memref_slice %arg2[%dma_start3A_57, %dma_start3A_58] : memref<32000x2048xf32, #tpu.memory_space<hbm>> -> memref<32000x2048xf32, #tpu.memory_space<hbm>>
    tpu.enqueue_indirect_dma source(%dma_start3A_59 : memref<32000x2048xf32, #tpu.memory_space<hbm>>) target(%arg7 : memref<16x2048xf32, #tpu.memory_space<vmem>>) offsets(%dma_start3A_56 : memref<16xi32, #tpu.memory_space<vmem>>) semaphore(%arg10 : memref<!tpu.dma_semaphore, #tpu.memory_space<semaphore_mem>>)
    %dma_wait3A_60 = arith.constant 32 : i32
    %dma_wait3A_61 = tpu.memref_slice %arg5[%dma_wait3A_60] : memref<144xi32, #tpu.memory_space<vmem>> -> memref<16xi32, #tpu.memory_space<vmem>>
    %dma_wait3A_62 = arith.constant 0 : i32
    %dma_wait3A_63 = arith.constant 0 : i32
    %dma_wait3A_64 = tpu.memref_slice %arg2[%dma_wait3A_62, %dma_wait3A_63] : memref<32000x2048xf32, #tpu.memory_space<hbm>> -> memref<32000x2048xf32, #tpu.memory_space<hbm>>
    tpu.wait_indirect_dma semaphore(%arg11 : memref<!tpu.dma_semaphore, #tpu.memory_space<semaphore_mem>>) src(%dma_wait3A_64 : memref<32000x2048xf32, #tpu.memory_space<hbm>>) dst(%arg8 : memref<16x2048xf32, #tpu.memory_space<vmem>>)
    %add3A_65 = arith.constant 32 : i32
    %add3A_66 = arith.addi %mul3A_2, %add3A_65 : i32
    %dma_start3A_67 = arith.constant 0 : i32
    %dma_start3A_68 = tpu.memref_slice %arg4[%add3A_66, %dma_start3A_67] : memref<4608x2048xf32, #tpu.memory_space<hbm>> -> memref<16x2048xf32, #tpu.memory_space<hbm>>
    %dma_start3A_69 = arith.constant 0 : i32
    %dma_start3A_70 = tpu.memref_slice %arg4[%add3A_66, %dma_start3A_69] : memref<4608x2048xf32, #tpu.memory_space<hbm>> -> memref<16x2048xf32, #tpu.memory_space<hbm>>
    tpu.enqueue_dma source(%arg8 : memref<16x2048xf32, #tpu.memory_space<vmem>>) target(%dma_start3A_70 : memref<16x2048xf32, #tpu.memory_space<hbm>>) target_semaphore(%arg14 : memref<!tpu.dma_semaphore, #tpu.memory_space<semaphore_mem>>)
    %add3A_71 = arith.constant 32 : i32
    %add3A_72 = arith.addi %mul3A_2, %add3A_71 : i32
    %dma_wait3A_73 = arith.constant 0 : i32
    %dma_wait3A_74 = tpu.memref_slice %arg4[%add3A_72, %dma_wait3A_73] : memref<4608x2048xf32, #tpu.memory_space<hbm>> -> memref<16x2048xf32, #tpu.memory_space<hbm>>
    %dma_wait3A_75 = arith.constant 0 : i32
    %dma_wait3A_76 = tpu.memref_slice %arg4[%add3A_72, %dma_wait3A_75] : memref<4608x2048xf32, #tpu.memory_space<hbm>> -> memref<16x2048xf32, #tpu.memory_space<hbm>>
    tpu.wait_dma2 semaphore(%arg14 : memref<!tpu.dma_semaphore, #tpu.memory_space<semaphore_mem>>) src(%arg8 : memref<16x2048xf32, #tpu.memory_space<vmem>>) dst(%dma_wait3A_76 : memref<16x2048xf32, #tpu.memory_space<hbm>>)
    %dma_start3A_77 = arith.constant 80 : i32
    %dma_start3A_78 = tpu.memref_slice %arg5[%dma_start3A_77] : memref<144xi32, #tpu.memory_space<vmem>> -> memref<16xi32, #tpu.memory_space<vmem>>
    %dma_start3A_79 = arith.constant 0 : i32
    %dma_start3A_80 = arith.constant 0 : i32
    %dma_start3A_81 = tpu.memref_slice %arg2[%dma_start3A_79, %dma_start3A_80] : memref<32000x2048xf32, #tpu.memory_space<hbm>> -> memref<32000x2048xf32, #tpu.memory_space<hbm>>
    tpu.enqueue_indirect_dma source(%dma_start3A_81 : memref<32000x2048xf32, #tpu.memory_space<hbm>>) target(%arg8 : memref<16x2048xf32, #tpu.memory_space<vmem>>) offsets(%dma_start3A_78 : memref<16xi32, #tpu.memory_space<vmem>>) semaphore(%arg11 : memref<!tpu.dma_semaphore, #tpu.memory_space<semaphore_mem>>)
    %dma_wait3A_82 = arith.constant 48 : i32
    %dma_wait3A_83 = tpu.memref_slice %arg5[%dma_wait3A_82] : memref<144xi32, #tpu.memory_space<vmem>> -> memref<16xi32, #tpu.memory_space<vmem>>
    %dma_wait3A_84 = arith.constant 0 : i32
    %dma_wait3A_85 = arith.constant 0 : i32
    %dma_wait3A_86 = tpu.memref_slice %arg2[%dma_wait3A_84, %dma_wait3A_85] : memref<32000x2048xf32, #tpu.memory_space<hbm>> -> memref<32000x2048xf32, #tpu.memory_space<hbm>>
    tpu.wait_indirect_dma semaphore(%arg9 : memref<!tpu.dma_semaphore, #tpu.memory_space<semaphore_mem>>) src(%dma_wait3A_86 : memref<32000x2048xf32, #tpu.memory_space<hbm>>) dst(%arg6 : memref<16x2048xf32, #tpu.memory_space<vmem>>)
    %add3A_87 = arith.constant 48 : i32
    %add3A_88 = arith.addi %mul3A_2, %add3A_87 : i32
    %dma_start3A_89 = arith.constant 0 : i32
    %dma_start3A_90 = tpu.memref_slice %arg4[%add3A_88, %dma_start3A_89] : memref<4608x2048xf32, #tpu.memory_space<hbm>> -> memref<16x2048xf32, #tpu.memory_space<hbm>>
    %dma_start3A_91 = arith.constant 0 : i32
    %dma_start3A_92 = tpu.memref_slice %arg4[%add3A_88, %dma_start3A_91] : memref<4608x2048xf32, #tpu.memory_space<hbm>> -> memref<16x2048xf32, #tpu.memory_space<hbm>>
    tpu.enqueue_dma source(%arg6 : memref<16x2048xf32, #tpu.memory_space<vmem>>) target(%dma_start3A_92 : memref<16x2048xf32, #tpu.memory_space<hbm>>) target_semaphore(%arg12 : memref<!tpu.dma_semaphore, #tpu.memory_space<semaphore_mem>>)
    %add3A_93 = arith.constant 48 : i32
    %add3A_94 = arith.addi %mul3A_2, %add3A_93 : i32
    %dma_wait3A_95 = arith.constant 0 : i32
    %dma_wait3A_96 = tpu.memref_slice %arg4[%add3A_94, %dma_wait3A_95] : memref<4608x2048xf32, #tpu.memory_space<hbm>> -> memref<16x2048xf32, #tpu.memory_space<hbm>>
    %dma_wait3A_97 = arith.constant 0 : i32
    %dma_wait3A_98 = tpu.memref_slice %arg4[%add3A_94, %dma_wait3A_97] : memref<4608x2048xf32, #tpu.memory_space<hbm>> -> memref<16x2048xf32, #tpu.memory_space<hbm>>
    tpu.wait_dma2 semaphore(%arg12 : memref<!tpu.dma_semaphore, #tpu.memory_space<semaphore_mem>>) src(%arg6 : memref<16x2048xf32, #tpu.memory_space<vmem>>) dst(%dma_wait3A_98 : memref<16x2048xf32, #tpu.memory_space<hbm>>)
    %dma_start3A_99 = arith.constant 96 : i32
    %dma_start3A_100 = tpu.memref_slice %arg5[%dma_start3A_99] : memref<144xi32, #tpu.memory_space<vmem>> -> memref<16xi32, #tpu.memory_space<vmem>>
    %dma_start3A_101 = arith.constant 0 : i32
    %dma_start3A_102 = arith.constant 0 : i32
    %dma_start3A_103 = tpu.memref_slice %arg2[%dma_start3A_101, %dma_start3A_102] : memref<32000x2048xf32, #tpu.memory_space<hbm>> -> memref<32000x2048xf32, #tpu.memory_space<hbm>>
    tpu.enqueue_indirect_dma source(%dma_start3A_103 : memref<32000x2048xf32, #tpu.memory_space<hbm>>) target(%arg6 : memref<16x2048xf32, #tpu.memory_space<vmem>>) offsets(%dma_start3A_100 : memref<16xi32, #tpu.memory_space<vmem>>) semaphore(%arg9 : memref<!tpu.dma_semaphore, #tpu.memory_space<semaphore_mem>>)
    %dma_wait3A_104 = arith.constant 64 : i32
    %dma_wait3A_105 = tpu.memref_slice %arg5[%dma_wait3A_104] : memref<144xi32, #tpu.memory_space<vmem>> -> memref<16xi32, #tpu.memory_space<vmem>>
    %dma_wait3A_106 = arith.constant 0 : i32
    %dma_wait3A_107 = arith.constant 0 : i32
    %dma_wait3A_108 = tpu.memref_slice %arg2[%dma_wait3A_106, %dma_wait3A_107] : memref<32000x2048xf32, #tpu.memory_space<hbm>> -> memref<32000x2048xf32, #tpu.memory_space<hbm>>
    tpu.wait_indirect_dma semaphore(%arg10 : memref<!tpu.dma_semaphore, #tpu.memory_space<semaphore_mem>>) src(%dma_wait3A_108 : memref<32000x2048xf32, #tpu.memory_space<hbm>>) dst(%arg7 : memref<16x2048xf32, #tpu.memory_space<vmem>>)
    %add3A_109 = arith.constant 64 : i32
    %add3A_110 = arith.addi %mul3A_2, %add3A_109 : i32
    %dma_start3A_111 = arith.constant 0 : i32
    %dma_start3A_112 = tpu.memref_slice %arg4[%add3A_110, %dma_start3A_111] : memref<4608x2048xf32, #tpu.memory_space<hbm>> -> memref<16x2048xf32, #tpu.memory_space<hbm>>
    %dma_start3A_113 = arith.constant 0 : i32
    %dma_start3A_114 = tpu.memref_slice %arg4[%add3A_110, %dma_start3A_113] : memref<4608x2048xf32, #tpu.memory_space<hbm>> -> memref<16x2048xf32, #tpu.memory_space<hbm>>
    tpu.enqueue_dma source(%arg7 : memref<16x2048xf32, #tpu.memory_space<vmem>>) target(%dma_start3A_114 : memref<16x2048xf32, #tpu.memory_space<hbm>>) target_semaphore(%arg13 : memref<!tpu.dma_semaphore, #tpu.memory_space<semaphore_mem>>)
    %add3A_115 = arith.constant 64 : i32
    %add3A_116 = arith.addi %mul3A_2, %add3A_115 : i32
    %dma_wait3A_117 = arith.constant 0 : i32
    %dma_wait3A_118 = tpu.memref_slice %arg4[%add3A_116, %dma_wait3A_117] : memref<4608x2048xf32, #tpu.memory_space<hbm>> -> memref<16x2048xf32, #tpu.memory_space<hbm>>
    %dma_wait3A_119 = arith.constant 0 : i32
    %dma_wait3A_120 = tpu.memref_slice %arg4[%add3A_116, %dma_wait3A_119] : memref<4608x2048xf32, #tpu.memory_space<hbm>> -> memref<16x2048xf32, #tpu.memory_space<hbm>>
    tpu.wait_dma2 semaphore(%arg13 : memref<!tpu.dma_semaphore, #tpu.memory_space<semaphore_mem>>) src(%arg7 : memref<16x2048xf32, #tpu.memory_space<vmem>>) dst(%dma_wait3A_120 : memref<16x2048xf32, #tpu.memory_space<hbm>>)
    %dma_start3A_121 = arith.constant 112 : i32
    %dma_start3A_122 = tpu.memref_slice %arg5[%dma_start3A_121] : memref<144xi32, #tpu.memory_space<vmem>> -> memref<16xi32, #tpu.memory_space<vmem>>
    %dma_start3A_123 = arith.constant 0 : i32
    %dma_start3A_124 = arith.constant 0 : i32
    %dma_start3A_125 = tpu.memref_slice %arg2[%dma_start3A_123, %dma_start3A_124] : memref<32000x2048xf32, #tpu.memory_space<hbm>> -> memref<32000x2048xf32, #tpu.memory_space<hbm>>
    tpu.enqueue_indirect_dma source(%dma_start3A_125 : memref<32000x2048xf32, #tpu.memory_space<hbm>>) target(%arg7 : memref<16x2048xf32, #tpu.memory_space<vmem>>) offsets(%dma_start3A_122 : memref<16xi32, #tpu.memory_space<vmem>>) semaphore(%arg10 : memref<!tpu.dma_semaphore, #tpu.memory_space<semaphore_mem>>)
    %dma_wait3A_126 = arith.constant 80 : i32
    %dma_wait3A_127 = tpu.memref_slice %arg5[%dma_wait3A_126] : memref<144xi32, #tpu.memory_space<vmem>> -> memref<16xi32, #tpu.memory_space<vmem>>
    %dma_wait3A_128 = arith.constant 0 : i32
    %dma_wait3A_129 = arith.constant 0 : i32
    %dma_wait3A_130 = tpu.memref_slice %arg2[%dma_wait3A_128, %dma_wait3A_129] : memref<32000x2048xf32, #tpu.memory_space<hbm>> -> memref<32000x2048xf32, #tpu.memory_space<hbm>>
    tpu.wait_indirect_dma semaphore(%arg11 : memref<!tpu.dma_semaphore, #tpu.memory_space<semaphore_mem>>) src(%dma_wait3A_130 : memref<32000x2048xf32, #tpu.memory_space<hbm>>) dst(%arg8 : memref<16x2048xf32, #tpu.memory_space<vmem>>)
    %add3A_131 = arith.constant 80 : i32
    %add3A_132 = arith.addi %mul3A_2, %add3A_131 : i32
    %dma_start3A_133 = arith.constant 0 : i32
    %dma_start3A_134 = tpu.memref_slice %arg4[%add3A_132, %dma_start3A_133] : memref<4608x2048xf32, #tpu.memory_space<hbm>> -> memref<16x2048xf32, #tpu.memory_space<hbm>>
    %dma_start3A_135 = arith.constant 0 : i32
    %dma_start3A_136 = tpu.memref_slice %arg4[%add3A_132, %dma_start3A_135] : memref<4608x2048xf32, #tpu.memory_space<hbm>> -> memref<16x2048xf32, #tpu.memory_space<hbm>>
    tpu.enqueue_dma source(%arg8 : memref<16x2048xf32, #tpu.memory_space<vmem>>) target(%dma_start3A_136 : memref<16x2048xf32, #tpu.memory_space<hbm>>) target_semaphore(%arg14 : memref<!tpu.dma_semaphore, #tpu.memory_space<semaphore_mem>>)
    %add3A_137 = arith.constant 80 : i32
    %add3A_138 = arith.addi %mul3A_2, %add3A_137 : i32
    %dma_wait3A_139 = arith.constant 0 : i32
    %dma_wait3A_140 = tpu.memref_slice %arg4[%add3A_138, %dma_wait3A_139] : memref<4608x2048xf32, #tpu.memory_space<hbm>> -> memref<16x2048xf32, #tpu.memory_space<hbm>>
    %dma_wait3A_141 = arith.constant 0 : i32
    %dma_wait3A_142 = tpu.memref_slice %arg4[%add3A_138, %dma_wait3A_141] : memref<4608x2048xf32, #tpu.memory_space<hbm>> -> memref<16x2048xf32, #tpu.memory_space<hbm>>
    tpu.wait_dma2 semaphore(%arg14 : memref<!tpu.dma_semaphore, #tpu.memory_space<semaphore_mem>>) src(%arg8 : memref<16x2048xf32, #tpu.memory_space<vmem>>) dst(%dma_wait3A_142 : memref<16x2048xf32, #tpu.memory_space<hbm>>)
    %dma_start3A_143 = arith.constant 128 : i32
    %dma_start3A_144 = tpu.memref_slice %arg5[%dma_start3A_143] : memref<144xi32, #tpu.memory_space<vmem>> -> memref<16xi32, #tpu.memory_space<vmem>>
    %dma_start3A_145 = arith.constant 0 : i32
    %dma_start3A_146 = arith.constant 0 : i32
    %dma_start3A_147 = tpu.memref_slice %arg2[%dma_start3A_145, %dma_start3A_146] : memref<32000x2048xf32, #tpu.memory_space<hbm>> -> memref<32000x2048xf32, #tpu.memory_space<hbm>>
    tpu.enqueue_indirect_dma source(%dma_start3A_147 : memref<32000x2048xf32, #tpu.memory_space<hbm>>) target(%arg8 : memref<16x2048xf32, #tpu.memory_space<vmem>>) offsets(%dma_start3A_144 : memref<16xi32, #tpu.memory_space<vmem>>) semaphore(%arg11 : memref<!tpu.dma_semaphore, #tpu.memory_space<semaphore_mem>>)
    %dma_wait3A_148 = arith.constant 96 : i32
    %dma_wait3A_149 = tpu.memref_slice %arg5[%dma_wait3A_148] : memref<144xi32, #tpu.memory_space<vmem>> -> memref<16xi32, #tpu.memory_space<vmem>>
    %dma_wait3A_150 = arith.constant 0 : i32
    %dma_wait3A_151 = arith.constant 0 : i32
    %dma_wait3A_152 = tpu.memref_slice %arg2[%dma_wait3A_150, %dma_wait3A_151] : memref<32000x2048xf32, #tpu.memory_space<hbm>> -> memref<32000x2048xf32, #tpu.memory_space<hbm>>
    tpu.wait_indirect_dma semaphore(%arg9 : memref<!tpu.dma_semaphore, #tpu.memory_space<semaphore_mem>>) src(%dma_wait3A_152 : memref<32000x2048xf32, #tpu.memory_space<hbm>>) dst(%arg6 : memref<16x2048xf32, #tpu.memory_space<vmem>>)
    %add3A_153 = arith.constant 96 : i32
    %add3A_154 = arith.addi %mul3A_2, %add3A_153 : i32
    %dma_start3A_155 = arith.constant 0 : i32
    %dma_start3A_156 = tpu.memref_slice %arg4[%add3A_154, %dma_start3A_155] : memref<4608x2048xf32, #tpu.memory_space<hbm>> -> memref<16x2048xf32, #tpu.memory_space<hbm>>
    %dma_start3A_157 = arith.constant 0 : i32
    %dma_start3A_158 = tpu.memref_slice %arg4[%add3A_154, %dma_start3A_157] : memref<4608x2048xf32, #tpu.memory_space<hbm>> -> memref<16x2048xf32, #tpu.memory_space<hbm>>
    tpu.enqueue_dma source(%arg6 : memref<16x2048xf32, #tpu.memory_space<vmem>>) target(%dma_start3A_158 : memref<16x2048xf32, #tpu.memory_space<hbm>>) target_semaphore(%arg12 : memref<!tpu.dma_semaphore, #tpu.memory_space<semaphore_mem>>)
    %dma_wait3A_159 = arith.constant 112 : i32
    %dma_wait3A_160 = tpu.memref_slice %arg5[%dma_wait3A_159] : memref<144xi32, #tpu.memory_space<vmem>> -> memref<16xi32, #tpu.memory_space<vmem>>
    %dma_wait3A_161 = arith.constant 0 : i32
    %dma_wait3A_162 = arith.constant 0 : i32
    %dma_wait3A_163 = tpu.memref_slice %arg2[%dma_wait3A_161, %dma_wait3A_162] : memref<32000x2048xf32, #tpu.memory_space<hbm>> -> memref<32000x2048xf32, #tpu.memory_space<hbm>>
    tpu.wait_indirect_dma semaphore(%arg10 : memref<!tpu.dma_semaphore, #tpu.memory_space<semaphore_mem>>) src(%dma_wait3A_163 : memref<32000x2048xf32, #tpu.memory_space<hbm>>) dst(%arg7 : memref<16x2048xf32, #tpu.memory_space<vmem>>)
    %add3A_164 = arith.constant 112 : i32
    %add3A_165 = arith.addi %mul3A_2, %add3A_164 : i32
    %dma_start3A_166 = arith.constant 0 : i32
    %dma_start3A_167 = tpu.memref_slice %arg4[%add3A_165, %dma_start3A_166] : memref<4608x2048xf32, #tpu.memory_space<hbm>> -> memref<16x2048xf32, #tpu.memory_space<hbm>>
    %dma_start3A_168 = arith.constant 0 : i32
    %dma_start3A_169 = tpu.memref_slice %arg4[%add3A_165, %dma_start3A_168] : memref<4608x2048xf32, #tpu.memory_space<hbm>> -> memref<16x2048xf32, #tpu.memory_space<hbm>>
    tpu.enqueue_dma source(%arg7 : memref<16x2048xf32, #tpu.memory_space<vmem>>) target(%dma_start3A_169 : memref<16x2048xf32, #tpu.memory_space<hbm>>) target_semaphore(%arg13 : memref<!tpu.dma_semaphore, #tpu.memory_space<semaphore_mem>>)
    %dma_wait3A_170 = arith.constant 128 : i32
    %dma_wait3A_171 = tpu.memref_slice %arg5[%dma_wait3A_170] : memref<144xi32, #tpu.memory_space<vmem>> -> memref<16xi32, #tpu.memory_space<vmem>>
    %dma_wait3A_172 = arith.constant 0 : i32
    %dma_wait3A_173 = arith.constant 0 : i32
    %dma_wait3A_174 = tpu.memref_slice %arg2[%dma_wait3A_172, %dma_wait3A_173] : memref<32000x2048xf32, #tpu.memory_space<hbm>> -> memref<32000x2048xf32, #tpu.memory_space<hbm>>
    tpu.wait_indirect_dma semaphore(%arg11 : memref<!tpu.dma_semaphore, #tpu.memory_space<semaphore_mem>>) src(%dma_wait3A_174 : memref<32000x2048xf32, #tpu.memory_space<hbm>>) dst(%arg8 : memref<16x2048xf32, #tpu.memory_space<vmem>>)
    %add3A_175 = arith.constant 128 : i32
    %add3A_176 = arith.addi %mul3A_2, %add3A_175 : i32
    %dma_start3A_177 = arith.constant 0 : i32
    %dma_start3A_178 = tpu.memref_slice %arg4[%add3A_176, %dma_start3A_177] : memref<4608x2048xf32, #tpu.memory_space<hbm>> -> memref<16x2048xf32, #tpu.memory_space<hbm>>
    %dma_start3A_179 = arith.constant 0 : i32
    %dma_start3A_180 = tpu.memref_slice %arg4[%add3A_176, %dma_start3A_179] : memref<4608x2048xf32, #tpu.memory_space<hbm>> -> memref<16x2048xf32, #tpu.memory_space<hbm>>
    tpu.enqueue_dma source(%arg8 : memref<16x2048xf32, #tpu.memory_space<vmem>>) target(%dma_start3A_180 : memref<16x2048xf32, #tpu.memory_space<hbm>>) target_semaphore(%arg14 : memref<!tpu.dma_semaphore, #tpu.memory_space<semaphore_mem>>)
    %add3A_181 = arith.constant 96 : i32
    %add3A_182 = arith.addi %mul3A_2, %add3A_181 : i32
    %dma_wait3A_183 = arith.constant 0 : i32
    %dma_wait3A_184 = tpu.memref_slice %arg4[%add3A_182, %dma_wait3A_183] : memref<4608x2048xf32, #tpu.memory_space<hbm>> -> memref<16x2048xf32, #tpu.memory_space<hbm>>
    %dma_wait3A_185 = arith.constant 0 : i32
    %dma_wait3A_186 = tpu.memref_slice %arg4[%add3A_182, %dma_wait3A_185] : memref<4608x2048xf32, #tpu.memory_space<hbm>> -> memref<16x2048xf32, #tpu.memory_space<hbm>>
    tpu.wait_dma2 semaphore(%arg12 : memref<!tpu.dma_semaphore, #tpu.memory_space<semaphore_mem>>) src(%arg6 : memref<16x2048xf32, #tpu.memory_space<vmem>>) dst(%dma_wait3A_186 : memref<16x2048xf32, #tpu.memory_space<hbm>>)
    %add3A_187 = arith.constant 112 : i32
    %add3A_188 = arith.addi %mul3A_2, %add3A_187 : i32
    %dma_wait3A_189 = arith.constant 0 : i32
    %dma_wait3A_190 = tpu.memref_slice %arg4[%add3A_188, %dma_wait3A_189] : memref<4608x2048xf32, #tpu.memory_space<hbm>> -> memref<16x2048xf32, #tpu.memory_space<hbm>>
    %dma_wait3A_191 = arith.constant 0 : i32
    %dma_wait3A_192 = tpu.memref_slice %arg4[%add3A_188, %dma_wait3A_191] : memref<4608x2048xf32, #tpu.memory_space<hbm>> -> memref<16x2048xf32, #tpu.memory_space<hbm>>
    tpu.wait_dma2 semaphore(%arg13 : memref<!tpu.dma_semaphore, #tpu.memory_space<semaphore_mem>>) src(%arg7 : memref<16x2048xf32, #tpu.memory_space<vmem>>) dst(%dma_wait3A_192 : memref<16x2048xf32, #tpu.memory_space<hbm>>)
    %add3A_193 = arith.constant 128 : i32
    %add3A_194 = arith.addi %mul3A_2, %add3A_193 : i32
    %dma_wait3A_195 = arith.constant 0 : i32
    %dma_wait3A_196 = tpu.memref_slice %arg4[%add3A_194, %dma_wait3A_195] : memref<4608x2048xf32, #tpu.memory_space<hbm>> -> memref<16x2048xf32, #tpu.memory_space<hbm>>
    %dma_wait3A_197 = arith.constant 0 : i32
    %dma_wait3A_198 = tpu.memref_slice %arg4[%add3A_194, %dma_wait3A_197] : memref<4608x2048xf32, #tpu.memory_space<hbm>> -> memref<16x2048xf32, #tpu.memory_space<hbm>>
    tpu.wait_dma2 semaphore(%arg14 : memref<!tpu.dma_semaphore, #tpu.memory_space<semaphore_mem>>) src(%arg8 : memref<16x2048xf32, #tpu.memory_space<vmem>>) dst(%dma_wait3A_198 : memref<16x2048xf32, #tpu.memory_space<hbm>>)
    return
  }
}

#map = affine_map<(d0, d1) -> (0, 0)>
#map1 = affine_map<(d0, d1) -> (0)>
module attributes {stable_mosaic.version = 14 : i64} {
  func.func @gather_kernel(%arg0: i32, %arg1: i32, %arg2: memref<32000x2048xf32, #tpu.memory_space<hbm>>, %arg3: memref<3584xi32, #tpu.memory_space<hbm>>, %arg4: memref<3584x2048xf32, #tpu.memory_space<hbm>>, %arg5: memref<112xi32, #tpu.memory_space<vmem>>, %arg6: memref<16x2048xf32, #tpu.memory_space<vmem>>, %arg7: memref<16x2048xf32, #tpu.memory_space<vmem>>, %arg8: memref<16x2048xf32, #tpu.memory_space<vmem>>, %arg9: memref<!tpu.dma_semaphore, #tpu.memory_space<semaphore_mem>>, %arg10: memref<!tpu.dma_semaphore, #tpu.memory_space<semaphore_mem>>, %arg11: memref<!tpu.dma_semaphore, #tpu.memory_space<semaphore_mem>>, %arg12: memref<!tpu.dma_semaphore, #tpu.memory_space<semaphore_mem>>, %arg13: memref<!tpu.dma_semaphore, #tpu.memory_space<semaphore_mem>>, %arg14: memref<!tpu.dma_semaphore, #tpu.memory_space<semaphore_mem>>) attributes {dimension_semantics = [#tpu.dimension_semantics<core_parallel>, #tpu.dimension_semantics<subcore_parallel>], iteration_bounds = array<i64: 2, 16>, scalar_prefetch = 0 : i64, scratch_operands = 10 : i64, tpu.core_type = #tpu.core_type<sc_vector_subcore>, window_params = [{transform_indices = #map}, {transform_indices = #map1}, {transform_indices = #map}]} {
    %mul3A = arith.constant 2 : i32
    %mul3A_0 = arith.muli %arg1, %mul3A : i32
    %add3A = arith.addi %mul3A_0, %arg0 : i32
    %mul3A_1 = arith.constant 112 : i32
    %mul3A_2 = arith.muli %add3A, %mul3A_1 : i32
    "tpu.region"() ({
      %run_scoped3A = tpu.sem_alloc : memref<!tpu.dma_semaphore, #tpu.memory_space<semaphore_mem>>
      %dma_start3A_155 = tpu.memref_slice %arg3[%mul3A_2] : memref<3584xi32, #tpu.memory_space<hbm>> -> memref<112xi32, #tpu.memory_space<hbm>>
      %dma_start3A_156 = tpu.memref_slice %arg3[%mul3A_2] : memref<3584xi32, #tpu.memory_space<hbm>> -> memref<112xi32, #tpu.memory_space<hbm>>
      tpu.enqueue_dma source(%dma_start3A_156 : memref<112xi32, #tpu.memory_space<hbm>>) target(%arg5 : memref<112xi32, #tpu.memory_space<vmem>>) target_semaphore(%run_scoped3A : memref<!tpu.dma_semaphore, #tpu.memory_space<semaphore_mem>>)
      %dma_wait3A_157 = tpu.memref_slice %arg3[%mul3A_2] : memref<3584xi32, #tpu.memory_space<hbm>> -> memref<112xi32, #tpu.memory_space<hbm>>
      %dma_wait3A_158 = tpu.memref_slice %arg3[%mul3A_2] : memref<3584xi32, #tpu.memory_space<hbm>> -> memref<112xi32, #tpu.memory_space<hbm>>
      tpu.wait_dma2 semaphore(%run_scoped3A : memref<!tpu.dma_semaphore, #tpu.memory_space<semaphore_mem>>) src(%dma_wait3A_158 : memref<112xi32, #tpu.memory_space<hbm>>) dst(%arg5 : memref<112xi32, #tpu.memory_space<vmem>>)
      tpu.yield
    }) : () -> ()
    %dma_start3A = arith.constant 0 : i32
    %dma_start3A_3 = tpu.memref_slice %arg5[%dma_start3A] : memref<112xi32, #tpu.memory_space<vmem>> -> memref<16xi32, #tpu.memory_space<vmem>>
    %dma_start3A_4 = arith.constant 0 : i32
    %dma_start3A_5 = arith.constant 0 : i32
    %dma_start3A_6 = tpu.memref_slice %arg2[%dma_start3A_4, %dma_start3A_5] : memref<32000x2048xf32, #tpu.memory_space<hbm>> -> memref<32000x2048xf32, #tpu.memory_space<hbm>>
    tpu.enqueue_indirect_dma source(%dma_start3A_6 : memref<32000x2048xf32, #tpu.memory_space<hbm>>) target(%arg6 : memref<16x2048xf32, #tpu.memory_space<vmem>>) offsets(%dma_start3A_3 : memref<16xi32, #tpu.memory_space<vmem>>) semaphore(%arg9 : memref<!tpu.dma_semaphore, #tpu.memory_space<semaphore_mem>>)
    %dma_start3A_7 = arith.constant 16 : i32
    %dma_start3A_8 = tpu.memref_slice %arg5[%dma_start3A_7] : memref<112xi32, #tpu.memory_space<vmem>> -> memref<16xi32, #tpu.memory_space<vmem>>
    %dma_start3A_9 = arith.constant 0 : i32
    %dma_start3A_10 = arith.constant 0 : i32
    %dma_start3A_11 = tpu.memref_slice %arg2[%dma_start3A_9, %dma_start3A_10] : memref<32000x2048xf32, #tpu.memory_space<hbm>> -> memref<32000x2048xf32, #tpu.memory_space<hbm>>
    tpu.enqueue_indirect_dma source(%dma_start3A_11 : memref<32000x2048xf32, #tpu.memory_space<hbm>>) target(%arg7 : memref<16x2048xf32, #tpu.memory_space<vmem>>) offsets(%dma_start3A_8 : memref<16xi32, #tpu.memory_space<vmem>>) semaphore(%arg10 : memref<!tpu.dma_semaphore, #tpu.memory_space<semaphore_mem>>)
    %dma_start3A_12 = arith.constant 32 : i32
    %dma_start3A_13 = tpu.memref_slice %arg5[%dma_start3A_12] : memref<112xi32, #tpu.memory_space<vmem>> -> memref<16xi32, #tpu.memory_space<vmem>>
    %dma_start3A_14 = arith.constant 0 : i32
    %dma_start3A_15 = arith.constant 0 : i32
    %dma_start3A_16 = tpu.memref_slice %arg2[%dma_start3A_14, %dma_start3A_15] : memref<32000x2048xf32, #tpu.memory_space<hbm>> -> memref<32000x2048xf32, #tpu.memory_space<hbm>>
    tpu.enqueue_indirect_dma source(%dma_start3A_16 : memref<32000x2048xf32, #tpu.memory_space<hbm>>) target(%arg8 : memref<16x2048xf32, #tpu.memory_space<vmem>>) offsets(%dma_start3A_13 : memref<16xi32, #tpu.memory_space<vmem>>) semaphore(%arg11 : memref<!tpu.dma_semaphore, #tpu.memory_space<semaphore_mem>>)
    %dma_wait3A = arith.constant 0 : i32
    %dma_wait3A_17 = tpu.memref_slice %arg5[%dma_wait3A] : memref<112xi32, #tpu.memory_space<vmem>> -> memref<16xi32, #tpu.memory_space<vmem>>
    %dma_wait3A_18 = arith.constant 0 : i32
    %dma_wait3A_19 = arith.constant 0 : i32
    %dma_wait3A_20 = tpu.memref_slice %arg2[%dma_wait3A_18, %dma_wait3A_19] : memref<32000x2048xf32, #tpu.memory_space<hbm>> -> memref<32000x2048xf32, #tpu.memory_space<hbm>>
    tpu.wait_indirect_dma semaphore(%arg9 : memref<!tpu.dma_semaphore, #tpu.memory_space<semaphore_mem>>) src(%dma_wait3A_20 : memref<32000x2048xf32, #tpu.memory_space<hbm>>) dst(%arg6 : memref<16x2048xf32, #tpu.memory_space<vmem>>)
    %add3A_21 = arith.constant 0 : i32
    %add3A_22 = arith.addi %mul3A_2, %add3A_21 : i32
    %dma_start3A_23 = arith.constant 0 : i32
    %dma_start3A_24 = tpu.memref_slice %arg4[%add3A_22, %dma_start3A_23] : memref<3584x2048xf32, #tpu.memory_space<hbm>> -> memref<16x2048xf32, #tpu.memory_space<hbm>>
    %dma_start3A_25 = arith.constant 0 : i32
    %dma_start3A_26 = tpu.memref_slice %arg4[%add3A_22, %dma_start3A_25] : memref<3584x2048xf32, #tpu.memory_space<hbm>> -> memref<16x2048xf32, #tpu.memory_space<hbm>>
    tpu.enqueue_dma source(%arg6 : memref<16x2048xf32, #tpu.memory_space<vmem>>) target(%dma_start3A_26 : memref<16x2048xf32, #tpu.memory_space<hbm>>) target_semaphore(%arg12 : memref<!tpu.dma_semaphore, #tpu.memory_space<semaphore_mem>>)
    %add3A_27 = arith.constant 0 : i32
    %add3A_28 = arith.addi %mul3A_2, %add3A_27 : i32
    %dma_wait3A_29 = arith.constant 0 : i32
    %dma_wait3A_30 = tpu.memref_slice %arg4[%add3A_28, %dma_wait3A_29] : memref<3584x2048xf32, #tpu.memory_space<hbm>> -> memref<16x2048xf32, #tpu.memory_space<hbm>>
    %dma_wait3A_31 = arith.constant 0 : i32
    %dma_wait3A_32 = tpu.memref_slice %arg4[%add3A_28, %dma_wait3A_31] : memref<3584x2048xf32, #tpu.memory_space<hbm>> -> memref<16x2048xf32, #tpu.memory_space<hbm>>
    tpu.wait_dma2 semaphore(%arg12 : memref<!tpu.dma_semaphore, #tpu.memory_space<semaphore_mem>>) src(%arg6 : memref<16x2048xf32, #tpu.memory_space<vmem>>) dst(%dma_wait3A_32 : memref<16x2048xf32, #tpu.memory_space<hbm>>)
    %dma_start3A_33 = arith.constant 48 : i32
    %dma_start3A_34 = tpu.memref_slice %arg5[%dma_start3A_33] : memref<112xi32, #tpu.memory_space<vmem>> -> memref<16xi32, #tpu.memory_space<vmem>>
    %dma_start3A_35 = arith.constant 0 : i32
    %dma_start3A_36 = arith.constant 0 : i32
    %dma_start3A_37 = tpu.memref_slice %arg2[%dma_start3A_35, %dma_start3A_36] : memref<32000x2048xf32, #tpu.memory_space<hbm>> -> memref<32000x2048xf32, #tpu.memory_space<hbm>>
    tpu.enqueue_indirect_dma source(%dma_start3A_37 : memref<32000x2048xf32, #tpu.memory_space<hbm>>) target(%arg6 : memref<16x2048xf32, #tpu.memory_space<vmem>>) offsets(%dma_start3A_34 : memref<16xi32, #tpu.memory_space<vmem>>) semaphore(%arg9 : memref<!tpu.dma_semaphore, #tpu.memory_space<semaphore_mem>>)
    %dma_wait3A_38 = arith.constant 16 : i32
    %dma_wait3A_39 = tpu.memref_slice %arg5[%dma_wait3A_38] : memref<112xi32, #tpu.memory_space<vmem>> -> memref<16xi32, #tpu.memory_space<vmem>>
    %dma_wait3A_40 = arith.constant 0 : i32
    %dma_wait3A_41 = arith.constant 0 : i32
    %dma_wait3A_42 = tpu.memref_slice %arg2[%dma_wait3A_40, %dma_wait3A_41] : memref<32000x2048xf32, #tpu.memory_space<hbm>> -> memref<32000x2048xf32, #tpu.memory_space<hbm>>
    tpu.wait_indirect_dma semaphore(%arg10 : memref<!tpu.dma_semaphore, #tpu.memory_space<semaphore_mem>>) src(%dma_wait3A_42 : memref<32000x2048xf32, #tpu.memory_space<hbm>>) dst(%arg7 : memref<16x2048xf32, #tpu.memory_space<vmem>>)
    %add3A_43 = arith.constant 16 : i32
    %add3A_44 = arith.addi %mul3A_2, %add3A_43 : i32
    %dma_start3A_45 = arith.constant 0 : i32
    %dma_start3A_46 = tpu.memref_slice %arg4[%add3A_44, %dma_start3A_45] : memref<3584x2048xf32, #tpu.memory_space<hbm>> -> memref<16x2048xf32, #tpu.memory_space<hbm>>
    %dma_start3A_47 = arith.constant 0 : i32
    %dma_start3A_48 = tpu.memref_slice %arg4[%add3A_44, %dma_start3A_47] : memref<3584x2048xf32, #tpu.memory_space<hbm>> -> memref<16x2048xf32, #tpu.memory_space<hbm>>
    tpu.enqueue_dma source(%arg7 : memref<16x2048xf32, #tpu.memory_space<vmem>>) target(%dma_start3A_48 : memref<16x2048xf32, #tpu.memory_space<hbm>>) target_semaphore(%arg13 : memref<!tpu.dma_semaphore, #tpu.memory_space<semaphore_mem>>)
    %add3A_49 = arith.constant 16 : i32
    %add3A_50 = arith.addi %mul3A_2, %add3A_49 : i32
    %dma_wait3A_51 = arith.constant 0 : i32
    %dma_wait3A_52 = tpu.memref_slice %arg4[%add3A_50, %dma_wait3A_51] : memref<3584x2048xf32, #tpu.memory_space<hbm>> -> memref<16x2048xf32, #tpu.memory_space<hbm>>
    %dma_wait3A_53 = arith.constant 0 : i32
    %dma_wait3A_54 = tpu.memref_slice %arg4[%add3A_50, %dma_wait3A_53] : memref<3584x2048xf32, #tpu.memory_space<hbm>> -> memref<16x2048xf32, #tpu.memory_space<hbm>>
    tpu.wait_dma2 semaphore(%arg13 : memref<!tpu.dma_semaphore, #tpu.memory_space<semaphore_mem>>) src(%arg7 : memref<16x2048xf32, #tpu.memory_space<vmem>>) dst(%dma_wait3A_54 : memref<16x2048xf32, #tpu.memory_space<hbm>>)
    %dma_start3A_55 = arith.constant 64 : i32
    %dma_start3A_56 = tpu.memref_slice %arg5[%dma_start3A_55] : memref<112xi32, #tpu.memory_space<vmem>> -> memref<16xi32, #tpu.memory_space<vmem>>
    %dma_start3A_57 = arith.constant 0 : i32
    %dma_start3A_58 = arith.constant 0 : i32
    %dma_start3A_59 = tpu.memref_slice %arg2[%dma_start3A_57, %dma_start3A_58] : memref<32000x2048xf32, #tpu.memory_space<hbm>> -> memref<32000x2048xf32, #tpu.memory_space<hbm>>
    tpu.enqueue_indirect_dma source(%dma_start3A_59 : memref<32000x2048xf32, #tpu.memory_space<hbm>>) target(%arg7 : memref<16x2048xf32, #tpu.memory_space<vmem>>) offsets(%dma_start3A_56 : memref<16xi32, #tpu.memory_space<vmem>>) semaphore(%arg10 : memref<!tpu.dma_semaphore, #tpu.memory_space<semaphore_mem>>)
    %dma_wait3A_60 = arith.constant 32 : i32
    %dma_wait3A_61 = tpu.memref_slice %arg5[%dma_wait3A_60] : memref<112xi32, #tpu.memory_space<vmem>> -> memref<16xi32, #tpu.memory_space<vmem>>
    %dma_wait3A_62 = arith.constant 0 : i32
    %dma_wait3A_63 = arith.constant 0 : i32
    %dma_wait3A_64 = tpu.memref_slice %arg2[%dma_wait3A_62, %dma_wait3A_63] : memref<32000x2048xf32, #tpu.memory_space<hbm>> -> memref<32000x2048xf32, #tpu.memory_space<hbm>>
    tpu.wait_indirect_dma semaphore(%arg11 : memref<!tpu.dma_semaphore, #tpu.memory_space<semaphore_mem>>) src(%dma_wait3A_64 : memref<32000x2048xf32, #tpu.memory_space<hbm>>) dst(%arg8 : memref<16x2048xf32, #tpu.memory_space<vmem>>)
    %add3A_65 = arith.constant 32 : i32
    %add3A_66 = arith.addi %mul3A_2, %add3A_65 : i32
    %dma_start3A_67 = arith.constant 0 : i32
    %dma_start3A_68 = tpu.memref_slice %arg4[%add3A_66, %dma_start3A_67] : memref<3584x2048xf32, #tpu.memory_space<hbm>> -> memref<16x2048xf32, #tpu.memory_space<hbm>>
    %dma_start3A_69 = arith.constant 0 : i32
    %dma_start3A_70 = tpu.memref_slice %arg4[%add3A_66, %dma_start3A_69] : memref<3584x2048xf32, #tpu.memory_space<hbm>> -> memref<16x2048xf32, #tpu.memory_space<hbm>>
    tpu.enqueue_dma source(%arg8 : memref<16x2048xf32, #tpu.memory_space<vmem>>) target(%dma_start3A_70 : memref<16x2048xf32, #tpu.memory_space<hbm>>) target_semaphore(%arg14 : memref<!tpu.dma_semaphore, #tpu.memory_space<semaphore_mem>>)
    %add3A_71 = arith.constant 32 : i32
    %add3A_72 = arith.addi %mul3A_2, %add3A_71 : i32
    %dma_wait3A_73 = arith.constant 0 : i32
    %dma_wait3A_74 = tpu.memref_slice %arg4[%add3A_72, %dma_wait3A_73] : memref<3584x2048xf32, #tpu.memory_space<hbm>> -> memref<16x2048xf32, #tpu.memory_space<hbm>>
    %dma_wait3A_75 = arith.constant 0 : i32
    %dma_wait3A_76 = tpu.memref_slice %arg4[%add3A_72, %dma_wait3A_75] : memref<3584x2048xf32, #tpu.memory_space<hbm>> -> memref<16x2048xf32, #tpu.memory_space<hbm>>
    tpu.wait_dma2 semaphore(%arg14 : memref<!tpu.dma_semaphore, #tpu.memory_space<semaphore_mem>>) src(%arg8 : memref<16x2048xf32, #tpu.memory_space<vmem>>) dst(%dma_wait3A_76 : memref<16x2048xf32, #tpu.memory_space<hbm>>)
    %dma_start3A_77 = arith.constant 80 : i32
    %dma_start3A_78 = tpu.memref_slice %arg5[%dma_start3A_77] : memref<112xi32, #tpu.memory_space<vmem>> -> memref<16xi32, #tpu.memory_space<vmem>>
    %dma_start3A_79 = arith.constant 0 : i32
    %dma_start3A_80 = arith.constant 0 : i32
    %dma_start3A_81 = tpu.memref_slice %arg2[%dma_start3A_79, %dma_start3A_80] : memref<32000x2048xf32, #tpu.memory_space<hbm>> -> memref<32000x2048xf32, #tpu.memory_space<hbm>>
    tpu.enqueue_indirect_dma source(%dma_start3A_81 : memref<32000x2048xf32, #tpu.memory_space<hbm>>) target(%arg8 : memref<16x2048xf32, #tpu.memory_space<vmem>>) offsets(%dma_start3A_78 : memref<16xi32, #tpu.memory_space<vmem>>) semaphore(%arg11 : memref<!tpu.dma_semaphore, #tpu.memory_space<semaphore_mem>>)
    %dma_wait3A_82 = arith.constant 48 : i32
    %dma_wait3A_83 = tpu.memref_slice %arg5[%dma_wait3A_82] : memref<112xi32, #tpu.memory_space<vmem>> -> memref<16xi32, #tpu.memory_space<vmem>>
    %dma_wait3A_84 = arith.constant 0 : i32
    %dma_wait3A_85 = arith.constant 0 : i32
    %dma_wait3A_86 = tpu.memref_slice %arg2[%dma_wait3A_84, %dma_wait3A_85] : memref<32000x2048xf32, #tpu.memory_space<hbm>> -> memref<32000x2048xf32, #tpu.memory_space<hbm>>
    tpu.wait_indirect_dma semaphore(%arg9 : memref<!tpu.dma_semaphore, #tpu.memory_space<semaphore_mem>>) src(%dma_wait3A_86 : memref<32000x2048xf32, #tpu.memory_space<hbm>>) dst(%arg6 : memref<16x2048xf32, #tpu.memory_space<vmem>>)
    %add3A_87 = arith.constant 48 : i32
    %add3A_88 = arith.addi %mul3A_2, %add3A_87 : i32
    %dma_start3A_89 = arith.constant 0 : i32
    %dma_start3A_90 = tpu.memref_slice %arg4[%add3A_88, %dma_start3A_89] : memref<3584x2048xf32, #tpu.memory_space<hbm>> -> memref<16x2048xf32, #tpu.memory_space<hbm>>
    %dma_start3A_91 = arith.constant 0 : i32
    %dma_start3A_92 = tpu.memref_slice %arg4[%add3A_88, %dma_start3A_91] : memref<3584x2048xf32, #tpu.memory_space<hbm>> -> memref<16x2048xf32, #tpu.memory_space<hbm>>
    tpu.enqueue_dma source(%arg6 : memref<16x2048xf32, #tpu.memory_space<vmem>>) target(%dma_start3A_92 : memref<16x2048xf32, #tpu.memory_space<hbm>>) target_semaphore(%arg12 : memref<!tpu.dma_semaphore, #tpu.memory_space<semaphore_mem>>)
    %add3A_93 = arith.constant 48 : i32
    %add3A_94 = arith.addi %mul3A_2, %add3A_93 : i32
    %dma_wait3A_95 = arith.constant 0 : i32
    %dma_wait3A_96 = tpu.memref_slice %arg4[%add3A_94, %dma_wait3A_95] : memref<3584x2048xf32, #tpu.memory_space<hbm>> -> memref<16x2048xf32, #tpu.memory_space<hbm>>
    %dma_wait3A_97 = arith.constant 0 : i32
    %dma_wait3A_98 = tpu.memref_slice %arg4[%add3A_94, %dma_wait3A_97] : memref<3584x2048xf32, #tpu.memory_space<hbm>> -> memref<16x2048xf32, #tpu.memory_space<hbm>>
    tpu.wait_dma2 semaphore(%arg12 : memref<!tpu.dma_semaphore, #tpu.memory_space<semaphore_mem>>) src(%arg6 : memref<16x2048xf32, #tpu.memory_space<vmem>>) dst(%dma_wait3A_98 : memref<16x2048xf32, #tpu.memory_space<hbm>>)
    %dma_start3A_99 = arith.constant 96 : i32
    %dma_start3A_100 = tpu.memref_slice %arg5[%dma_start3A_99] : memref<112xi32, #tpu.memory_space<vmem>> -> memref<16xi32, #tpu.memory_space<vmem>>
    %dma_start3A_101 = arith.constant 0 : i32
    %dma_start3A_102 = arith.constant 0 : i32
    %dma_start3A_103 = tpu.memref_slice %arg2[%dma_start3A_101, %dma_start3A_102] : memref<32000x2048xf32, #tpu.memory_space<hbm>> -> memref<32000x2048xf32, #tpu.memory_space<hbm>>
    tpu.enqueue_indirect_dma source(%dma_start3A_103 : memref<32000x2048xf32, #tpu.memory_space<hbm>>) target(%arg6 : memref<16x2048xf32, #tpu.memory_space<vmem>>) offsets(%dma_start3A_100 : memref<16xi32, #tpu.memory_space<vmem>>) semaphore(%arg9 : memref<!tpu.dma_semaphore, #tpu.memory_space<semaphore_mem>>)
    %dma_wait3A_104 = arith.constant 64 : i32
    %dma_wait3A_105 = tpu.memref_slice %arg5[%dma_wait3A_104] : memref<112xi32, #tpu.memory_space<vmem>> -> memref<16xi32, #tpu.memory_space<vmem>>
    %dma_wait3A_106 = arith.constant 0 : i32
    %dma_wait3A_107 = arith.constant 0 : i32
    %dma_wait3A_108 = tpu.memref_slice %arg2[%dma_wait3A_106, %dma_wait3A_107] : memref<32000x2048xf32, #tpu.memory_space<hbm>> -> memref<32000x2048xf32, #tpu.memory_space<hbm>>
    tpu.wait_indirect_dma semaphore(%arg10 : memref<!tpu.dma_semaphore, #tpu.memory_space<semaphore_mem>>) src(%dma_wait3A_108 : memref<32000x2048xf32, #tpu.memory_space<hbm>>) dst(%arg7 : memref<16x2048xf32, #tpu.memory_space<vmem>>)
    %add3A_109 = arith.constant 64 : i32
    %add3A_110 = arith.addi %mul3A_2, %add3A_109 : i32
    %dma_start3A_111 = arith.constant 0 : i32
    %dma_start3A_112 = tpu.memref_slice %arg4[%add3A_110, %dma_start3A_111] : memref<3584x2048xf32, #tpu.memory_space<hbm>> -> memref<16x2048xf32, #tpu.memory_space<hbm>>
    %dma_start3A_113 = arith.constant 0 : i32
    %dma_start3A_114 = tpu.memref_slice %arg4[%add3A_110, %dma_start3A_113] : memref<3584x2048xf32, #tpu.memory_space<hbm>> -> memref<16x2048xf32, #tpu.memory_space<hbm>>
    tpu.enqueue_dma source(%arg7 : memref<16x2048xf32, #tpu.memory_space<vmem>>) target(%dma_start3A_114 : memref<16x2048xf32, #tpu.memory_space<hbm>>) target_semaphore(%arg13 : memref<!tpu.dma_semaphore, #tpu.memory_space<semaphore_mem>>)
    %dma_wait3A_115 = arith.constant 80 : i32
    %dma_wait3A_116 = tpu.memref_slice %arg5[%dma_wait3A_115] : memref<112xi32, #tpu.memory_space<vmem>> -> memref<16xi32, #tpu.memory_space<vmem>>
    %dma_wait3A_117 = arith.constant 0 : i32
    %dma_wait3A_118 = arith.constant 0 : i32
    %dma_wait3A_119 = tpu.memref_slice %arg2[%dma_wait3A_117, %dma_wait3A_118] : memref<32000x2048xf32, #tpu.memory_space<hbm>> -> memref<32000x2048xf32, #tpu.memory_space<hbm>>
    tpu.wait_indirect_dma semaphore(%arg11 : memref<!tpu.dma_semaphore, #tpu.memory_space<semaphore_mem>>) src(%dma_wait3A_119 : memref<32000x2048xf32, #tpu.memory_space<hbm>>) dst(%arg8 : memref<16x2048xf32, #tpu.memory_space<vmem>>)
    %add3A_120 = arith.constant 80 : i32
    %add3A_121 = arith.addi %mul3A_2, %add3A_120 : i32
    %dma_start3A_122 = arith.constant 0 : i32
    %dma_start3A_123 = tpu.memref_slice %arg4[%add3A_121, %dma_start3A_122] : memref<3584x2048xf32, #tpu.memory_space<hbm>> -> memref<16x2048xf32, #tpu.memory_space<hbm>>
    %dma_start3A_124 = arith.constant 0 : i32
    %dma_start3A_125 = tpu.memref_slice %arg4[%add3A_121, %dma_start3A_124] : memref<3584x2048xf32, #tpu.memory_space<hbm>> -> memref<16x2048xf32, #tpu.memory_space<hbm>>
    tpu.enqueue_dma source(%arg8 : memref<16x2048xf32, #tpu.memory_space<vmem>>) target(%dma_start3A_125 : memref<16x2048xf32, #tpu.memory_space<hbm>>) target_semaphore(%arg14 : memref<!tpu.dma_semaphore, #tpu.memory_space<semaphore_mem>>)
    %dma_wait3A_126 = arith.constant 96 : i32
    %dma_wait3A_127 = tpu.memref_slice %arg5[%dma_wait3A_126] : memref<112xi32, #tpu.memory_space<vmem>> -> memref<16xi32, #tpu.memory_space<vmem>>
    %dma_wait3A_128 = arith.constant 0 : i32
    %dma_wait3A_129 = arith.constant 0 : i32
    %dma_wait3A_130 = tpu.memref_slice %arg2[%dma_wait3A_128, %dma_wait3A_129] : memref<32000x2048xf32, #tpu.memory_space<hbm>> -> memref<32000x2048xf32, #tpu.memory_space<hbm>>
    tpu.wait_indirect_dma semaphore(%arg9 : memref<!tpu.dma_semaphore, #tpu.memory_space<semaphore_mem>>) src(%dma_wait3A_130 : memref<32000x2048xf32, #tpu.memory_space<hbm>>) dst(%arg6 : memref<16x2048xf32, #tpu.memory_space<vmem>>)
    %add3A_131 = arith.constant 96 : i32
    %add3A_132 = arith.addi %mul3A_2, %add3A_131 : i32
    %dma_start3A_133 = arith.constant 0 : i32
    %dma_start3A_134 = tpu.memref_slice %arg4[%add3A_132, %dma_start3A_133] : memref<3584x2048xf32, #tpu.memory_space<hbm>> -> memref<16x2048xf32, #tpu.memory_space<hbm>>
    %dma_start3A_135 = arith.constant 0 : i32
    %dma_start3A_136 = tpu.memref_slice %arg4[%add3A_132, %dma_start3A_135] : memref<3584x2048xf32, #tpu.memory_space<hbm>> -> memref<16x2048xf32, #tpu.memory_space<hbm>>
    tpu.enqueue_dma source(%arg6 : memref<16x2048xf32, #tpu.memory_space<vmem>>) target(%dma_start3A_136 : memref<16x2048xf32, #tpu.memory_space<hbm>>) target_semaphore(%arg12 : memref<!tpu.dma_semaphore, #tpu.memory_space<semaphore_mem>>)
    %add3A_137 = arith.constant 64 : i32
    %add3A_138 = arith.addi %mul3A_2, %add3A_137 : i32
    %dma_wait3A_139 = arith.constant 0 : i32
    %dma_wait3A_140 = tpu.memref_slice %arg4[%add3A_138, %dma_wait3A_139] : memref<3584x2048xf32, #tpu.memory_space<hbm>> -> memref<16x2048xf32, #tpu.memory_space<hbm>>
    %dma_wait3A_141 = arith.constant 0 : i32
    %dma_wait3A_142 = tpu.memref_slice %arg4[%add3A_138, %dma_wait3A_141] : memref<3584x2048xf32, #tpu.memory_space<hbm>> -> memref<16x2048xf32, #tpu.memory_space<hbm>>
    tpu.wait_dma2 semaphore(%arg13 : memref<!tpu.dma_semaphore, #tpu.memory_space<semaphore_mem>>) src(%arg7 : memref<16x2048xf32, #tpu.memory_space<vmem>>) dst(%dma_wait3A_142 : memref<16x2048xf32, #tpu.memory_space<hbm>>)
    %add3A_143 = arith.constant 80 : i32
    %add3A_144 = arith.addi %mul3A_2, %add3A_143 : i32
    %dma_wait3A_145 = arith.constant 0 : i32
    %dma_wait3A_146 = tpu.memref_slice %arg4[%add3A_144, %dma_wait3A_145] : memref<3584x2048xf32, #tpu.memory_space<hbm>> -> memref<16x2048xf32, #tpu.memory_space<hbm>>
    %dma_wait3A_147 = arith.constant 0 : i32
    %dma_wait3A_148 = tpu.memref_slice %arg4[%add3A_144, %dma_wait3A_147] : memref<3584x2048xf32, #tpu.memory_space<hbm>> -> memref<16x2048xf32, #tpu.memory_space<hbm>>
    tpu.wait_dma2 semaphore(%arg14 : memref<!tpu.dma_semaphore, #tpu.memory_space<semaphore_mem>>) src(%arg8 : memref<16x2048xf32, #tpu.memory_space<vmem>>) dst(%dma_wait3A_148 : memref<16x2048xf32, #tpu.memory_space<hbm>>)
    %add3A_149 = arith.constant 96 : i32
    %add3A_150 = arith.addi %mul3A_2, %add3A_149 : i32
    %dma_wait3A_151 = arith.constant 0 : i32
    %dma_wait3A_152 = tpu.memref_slice %arg4[%add3A_150, %dma_wait3A_151] : memref<3584x2048xf32, #tpu.memory_space<hbm>> -> memref<16x2048xf32, #tpu.memory_space<hbm>>
    %dma_wait3A_153 = arith.constant 0 : i32
    %dma_wait3A_154 = tpu.memref_slice %arg4[%add3A_150, %dma_wait3A_153] : memref<3584x2048xf32, #tpu.memory_space<hbm>> -> memref<16x2048xf32, #tpu.memory_space<hbm>>
    tpu.wait_dma2 semaphore(%arg12 : memref<!tpu.dma_semaphore, #tpu.memory_space<semaphore_mem>>) src(%arg6 : memref<16x2048xf32, #tpu.memory_space<vmem>>) dst(%dma_wait3A_154 : memref<16x2048xf32, #tpu.memory_space<hbm>>)
    return
  }
}

module attributes {stable_mosaic.version = 14 : i64} {
  func.func @mm_kernel(%arg0: i32, %arg1: memref<512x2048xf32, #tpu.memory_space<vmem>>, %arg2: memref<2048x2048xbf16, #tpu.memory_space<vmem>>, %arg3: memref<1x2048xf32, #tpu.memory_space<vmem>>, %arg4: memref<512x2048xf32, #tpu.memory_space<vmem>>) attributes {dimension_semantics = [#tpu.dimension_semantics<arbitrary>], iteration_bounds = array<i64: 7>, scalar_prefetch = 0 : i64, scratch_operands = 0 : i64, tpu.core_type = #tpu.core_type<tc>, window_params = [{transform_indices = @transform_0, window_bounds = array<i64: 512, 2048>}, {pipeline_mode = #tpu.pipeline_mode<synchronous>, transform_indices = @transform_1, window_bounds = array<i64: 2048, 2048>}, {pipeline_mode = #tpu.pipeline_mode<synchronous>, transform_indices = @transform_2, window_bounds = array<i64: 1, 2048>}, {transform_indices = @transform_3, window_bounds = array<i64: 512, 2048>}]} {
    %get3A = arith.constant 0 : index
    %get3A_0 = arith.constant 0 : index
    %get3A_1 = vector.load %arg1[%get3A, %get3A_0] : memref<512x2048xf32, #tpu.memory_space<vmem>>, vector<512x512xf32>
    %convert_element_type3A = arith.truncf %get3A_1 : vector<512x512xf32> to vector<512x512xbf16>
    %get3A_2 = arith.constant 0 : index
    %get3A_3 = arith.constant 0 : index
    %get3A_4 = vector.load %arg2[%get3A_2, %get3A_3] : memref<2048x2048xbf16, #tpu.memory_space<vmem>>, vector<512x2048xbf16>
    %dot_general3A = arith.constant dense<0.000000e+00> : vector<512x2048xf32>
    %dot_general3A_5 = tpu.matmul %convert_element_type3A, %get3A_4, %dot_general3A {dimension_numbers = #tpu.dot_dimension_numbers<[1], [0], [0], [1], [0, 0, 1, 1], [], []>, transpose_lhs_hint = false} : vector<512x512xbf16>, vector<512x2048xbf16>, vector<512x2048xf32> -> vector<512x2048xf32>
    %get3A_6 = arith.constant 0 : index
    %get3A_7 = arith.constant 512 : index
    %get3A_8 = vector.load %arg1[%get3A_6, %get3A_7] : memref<512x2048xf32, #tpu.memory_space<vmem>>, vector<512x512xf32>
    %convert_element_type3A_9 = arith.truncf %get3A_8 : vector<512x512xf32> to vector<512x512xbf16>
    %get3A_10 = arith.constant 512 : index
    %get3A_11 = arith.constant 0 : index
    %get3A_12 = vector.load %arg2[%get3A_10, %get3A_11] : memref<2048x2048xbf16, #tpu.memory_space<vmem>>, vector<512x2048xbf16>
    %dot_general3A_13 = arith.constant dense<0.000000e+00> : vector<512x2048xf32>
    %dot_general3A_14 = tpu.matmul %convert_element_type3A_9, %get3A_12, %dot_general3A_13 {dimension_numbers = #tpu.dot_dimension_numbers<[1], [0], [0], [1], [0, 0, 1, 1], [], []>, transpose_lhs_hint = false} : vector<512x512xbf16>, vector<512x2048xbf16>, vector<512x2048xf32> -> vector<512x2048xf32>
    %add3A = arith.addf %dot_general3A_5, %dot_general3A_14 : vector<512x2048xf32>
    %get3A_15 = arith.constant 0 : index
    %get3A_16 = arith.constant 1024 : index
    %get3A_17 = vector.load %arg1[%get3A_15, %get3A_16] : memref<512x2048xf32, #tpu.memory_space<vmem>>, vector<512x512xf32>
    %convert_element_type3A_18 = arith.truncf %get3A_17 : vector<512x512xf32> to vector<512x512xbf16>
    %get3A_19 = arith.constant 1024 : index
    %get3A_20 = arith.constant 0 : index
    %get3A_21 = vector.load %arg2[%get3A_19, %get3A_20] : memref<2048x2048xbf16, #tpu.memory_space<vmem>>, vector<512x2048xbf16>
    %dot_general3A_22 = arith.constant dense<0.000000e+00> : vector<512x2048xf32>
    %dot_general3A_23 = tpu.matmul %convert_element_type3A_18, %get3A_21, %dot_general3A_22 {dimension_numbers = #tpu.dot_dimension_numbers<[1], [0], [0], [1], [0, 0, 1, 1], [], []>, transpose_lhs_hint = false} : vector<512x512xbf16>, vector<512x2048xbf16>, vector<512x2048xf32> -> vector<512x2048xf32>
    %add3A_24 = arith.addf %add3A, %dot_general3A_23 : vector<512x2048xf32>
    %get3A_25 = arith.constant 0 : index
    %get3A_26 = arith.constant 1536 : index
    %get3A_27 = vector.load %arg1[%get3A_25, %get3A_26] : memref<512x2048xf32, #tpu.memory_space<vmem>>, vector<512x512xf32>
    %convert_element_type3A_28 = arith.truncf %get3A_27 : vector<512x512xf32> to vector<512x512xbf16>
    %get3A_29 = arith.constant 1536 : index
    %get3A_30 = arith.constant 0 : index
    %get3A_31 = vector.load %arg2[%get3A_29, %get3A_30] : memref<2048x2048xbf16, #tpu.memory_space<vmem>>, vector<512x2048xbf16>
    %dot_general3A_32 = arith.constant dense<0.000000e+00> : vector<512x2048xf32>
    %dot_general3A_33 = tpu.matmul %convert_element_type3A_28, %get3A_31, %dot_general3A_32 {dimension_numbers = #tpu.dot_dimension_numbers<[1], [0], [0], [1], [0, 0, 1, 1], [], []>, transpose_lhs_hint = false} : vector<512x512xbf16>, vector<512x2048xbf16>, vector<512x2048xf32> -> vector<512x2048xf32>
    %add3A_34 = arith.addf %add3A_24, %dot_general3A_33 : vector<512x2048xf32>
    %get3A_35 = arith.constant 0 : index
    %get3A_36 = arith.constant 0 : index
    %get3A_37 = vector.load %arg3[%get3A_35, %get3A_36] : memref<1x2048xf32, #tpu.memory_space<vmem>>, vector<1x2048xf32>
    %add3A_38 = vector.broadcast %get3A_37 : vector<1x2048xf32> to vector<512x2048xf32>
    %add3A_39 = arith.addf %add3A_34, %add3A_38 : vector<512x2048xf32>
    %swap3A = arith.constant 0 : index
    %swap3A_40 = arith.constant 0 : index
    %swap3A_41 = vector.load %arg4[%swap3A, %swap3A_40] : memref<512x2048xf32, #tpu.memory_space<vmem>>, vector<512x2048xf32>
    tpu.vector_store %arg4[%swap3A, %swap3A_40], %add3A_39 {strides = array<i32>} : memref<512x2048xf32, #tpu.memory_space<vmem>>, vector<512x2048xf32>,
    return
  }
  func.func @transform_0(%arg0: i32) -> (i32, i32) {
    %c0_i32 = arith.constant 0 : i32
    %c0_i32_0 = arith.constant 0 : i32
    return %arg0, %c0_i32 : i32, i32
  }
  func.func @transform_1(%arg0: i32) -> (i32, i32) {
    %c0_i32 = arith.constant 0 : i32
    %c0_i32_0 = arith.constant 0 : i32
    %c0_i32_1 = arith.constant 0 : i32
    return %c0_i32, %c0_i32_0 : i32, i32
  }
  func.func @transform_2(%arg0: i32) -> (i32, i32) {
    %c0_i32 = arith.constant 0 : i32
    %c0_i32_0 = arith.constant 0 : i32
    %c0_i32_1 = arith.constant 0 : i32
    return %c0_i32, %c0_i32_0 : i32, i32
  }
  func.func @transform_3(%arg0: i32) -> (i32, i32) {
    %add3A = arith.constant 0 : i32
    %add3A_0 = arith.addi %add3A, %arg0 : i32
    %c0_i32 = arith.constant 0 : i32
    %c0_i32_1 = arith.constant 0 : i32
    return %add3A_0, %c0_i32 : i32, i32
  }
}

module attributes {stable_mosaic.version = 14 : i64} {
  func.func @mm_kernel(%arg0: i32, %arg1: memref<512x2048xf32, #tpu.memory_space<vmem>>, %arg2: memref<2048x2048xbf16, #tpu.memory_space<vmem>>, %arg3: memref<1x2048xf32, #tpu.memory_space<vmem>>, %arg4: memref<8192x2048xf32, #tpu.memory_space<hbm>>, %arg5: memref<512x2048xf32, #tpu.memory_space<vmem>>) attributes {dimension_semantics = [#tpu.dimension_semantics<arbitrary>], iteration_bounds = array<i64: 9>, scalar_prefetch = 0 : i64, scratch_operands = 0 : i64, tpu.core_type = #tpu.core_type<tc>, window_params = [{transform_indices = @transform_0, window_bounds = array<i64: 512, 2048>}, {pipeline_mode = #tpu.pipeline_mode<synchronous>, transform_indices = @transform_1, window_bounds = array<i64: 2048, 2048>}, {pipeline_mode = #tpu.pipeline_mode<synchronous>, transform_indices = @transform_2, window_bounds = array<i64: 1, 2048>}, {}, {transform_indices = @transform_4, window_bounds = array<i64: 512, 2048>}]} {
    %get3A = arith.constant 0 : index
    %get3A_0 = arith.constant 0 : index
    %get3A_1 = vector.load %arg1[%get3A, %get3A_0] : memref<512x2048xf32, #tpu.memory_space<vmem>>, vector<512x512xf32>
    %convert_element_type3A = arith.truncf %get3A_1 : vector<512x512xf32> to vector<512x512xbf16>
    %get3A_2 = arith.constant 0 : index
    %get3A_3 = arith.constant 0 : index
    %get3A_4 = vector.load %arg2[%get3A_2, %get3A_3] : memref<2048x2048xbf16, #tpu.memory_space<vmem>>, vector<512x2048xbf16>
    %dot_general3A = arith.constant dense<0.000000e+00> : vector<512x2048xf32>
    %dot_general3A_5 = tpu.matmul %convert_element_type3A, %get3A_4, %dot_general3A {dimension_numbers = #tpu.dot_dimension_numbers<[1], [0], [0], [1], [0, 0, 1, 1], [], []>, transpose_lhs_hint = false} : vector<512x512xbf16>, vector<512x2048xbf16>, vector<512x2048xf32> -> vector<512x2048xf32>
    %get3A_6 = arith.constant 0 : index
    %get3A_7 = arith.constant 512 : index
    %get3A_8 = vector.load %arg1[%get3A_6, %get3A_7] : memref<512x2048xf32, #tpu.memory_space<vmem>>, vector<512x512xf32>
    %convert_element_type3A_9 = arith.truncf %get3A_8 : vector<512x512xf32> to vector<512x512xbf16>
    %get3A_10 = arith.constant 512 : index
    %get3A_11 = arith.constant 0 : index
    %get3A_12 = vector.load %arg2[%get3A_10, %get3A_11] : memref<2048x2048xbf16, #tpu.memory_space<vmem>>, vector<512x2048xbf16>
    %dot_general3A_13 = arith.constant dense<0.000000e+00> : vector<512x2048xf32>
    %dot_general3A_14 = tpu.matmul %convert_element_type3A_9, %get3A_12, %dot_general3A_13 {dimension_numbers = #tpu.dot_dimension_numbers<[1], [0], [0], [1], [0, 0, 1, 1], [], []>, transpose_lhs_hint = false} : vector<512x512xbf16>, vector<512x2048xbf16>, vector<512x2048xf32> -> vector<512x2048xf32>
    %add3A = arith.addf %dot_general3A_5, %dot_general3A_14 : vector<512x2048xf32>
    %get3A_15 = arith.constant 0 : index
    %get3A_16 = arith.constant 1024 : index
    %get3A_17 = vector.load %arg1[%get3A_15, %get3A_16] : memref<512x2048xf32, #tpu.memory_space<vmem>>, vector<512x512xf32>
    %convert_element_type3A_18 = arith.truncf %get3A_17 : vector<512x512xf32> to vector<512x512xbf16>
    %get3A_19 = arith.constant 1024 : index
    %get3A_20 = arith.constant 0 : index
    %get3A_21 = vector.load %arg2[%get3A_19, %get3A_20] : memref<2048x2048xbf16, #tpu.memory_space<vmem>>, vector<512x2048xbf16>
    %dot_general3A_22 = arith.constant dense<0.000000e+00> : vector<512x2048xf32>
    %dot_general3A_23 = tpu.matmul %convert_element_type3A_18, %get3A_21, %dot_general3A_22 {dimension_numbers = #tpu.dot_dimension_numbers<[1], [0], [0], [1], [0, 0, 1, 1], [], []>, transpose_lhs_hint = false} : vector<512x512xbf16>, vector<512x2048xbf16>, vector<512x2048xf32> -> vector<512x2048xf32>
    %add3A_24 = arith.addf %add3A, %dot_general3A_23 : vector<512x2048xf32>
    %get3A_25 = arith.constant 0 : index
    %get3A_26 = arith.constant 1536 : index
    %get3A_27 = vector.load %arg1[%get3A_25, %get3A_26] : memref<512x2048xf32, #tpu.memory_space<vmem>>, vector<512x512xf32>
    %convert_element_type3A_28 = arith.truncf %get3A_27 : vector<512x512xf32> to vector<512x512xbf16>
    %get3A_29 = arith.constant 1536 : index
    %get3A_30 = arith.constant 0 : index
    %get3A_31 = vector.load %arg2[%get3A_29, %get3A_30] : memref<2048x2048xbf16, #tpu.memory_space<vmem>>, vector<512x2048xbf16>
    %dot_general3A_32 = arith.constant dense<0.000000e+00> : vector<512x2048xf32>
    %dot_general3A_33 = tpu.matmul %convert_element_type3A_28, %get3A_31, %dot_general3A_32 {dimension_numbers = #tpu.dot_dimension_numbers<[1], [0], [0], [1], [0, 0, 1, 1], [], []>, transpose_lhs_hint = false} : vector<512x512xbf16>, vector<512x2048xbf16>, vector<512x2048xf32> -> vector<512x2048xf32>
    %add3A_34 = arith.addf %add3A_24, %dot_general3A_33 : vector<512x2048xf32>
    %get3A_35 = arith.constant 0 : index
    %get3A_36 = arith.constant 0 : index
    %get3A_37 = vector.load %arg3[%get3A_35, %get3A_36] : memref<1x2048xf32, #tpu.memory_space<vmem>>, vector<1x2048xf32>
    %add3A_38 = vector.broadcast %get3A_37 : vector<1x2048xf32> to vector<512x2048xf32>
    %add3A_39 = arith.addf %add3A_34, %add3A_38 : vector<512x2048xf32>
    %swap3A = arith.constant 0 : index
    %swap3A_40 = arith.constant 0 : index
    %swap3A_41 = vector.load %arg5[%swap3A, %swap3A_40] : memref<512x2048xf32, #tpu.memory_space<vmem>>, vector<512x2048xf32>
    tpu.vector_store %arg5[%swap3A, %swap3A_40], %add3A_39 {strides = array<i32>} : memref<512x2048xf32, #tpu.memory_space<vmem>>, vector<512x2048xf32>,
    return
  }
  func.func @transform_0(%arg0: i32) -> (i32, i32) {
    %c0_i32 = arith.constant 0 : i32
    %c0_i32_0 = arith.constant 0 : i32
    return %arg0, %c0_i32 : i32, i32
  }
  func.func @transform_1(%arg0: i32) -> (i32, i32) {
    %c0_i32 = arith.constant 0 : i32
    %c0_i32_0 = arith.constant 0 : i32
    %c0_i32_1 = arith.constant 0 : i32
    return %c0_i32, %c0_i32_0 : i32, i32
  }
  func.func @transform_2(%arg0: i32) -> (i32, i32) {
    %c0_i32 = arith.constant 0 : i32
    %c0_i32_0 = arith.constant 0 : i32
    %c0_i32_1 = arith.constant 0 : i32
    return %c0_i32, %c0_i32_0 : i32, i32
  }
  func.func @transform_4(%arg0: i32) -> (i32, i32) {
    %add3A = arith.constant 7 : i32
    %add3A_0 = arith.addi %add3A, %arg0 : i32
    %c0_i32 = arith.constant 0 : i32
    %c0_i32_1 = arith.constant 0 : i32
    return %add3A_0, %c0_i32 : i32, i32
  }
}

</mosaic_0001>

<sc_bundles>
// kernel: kernel.6.cloned.1.call-start
scs
__scs_entry_jumppad:
0x0: {  	(pc) =	sbr.rel $0x88, $3  }
0x1: {  	(tag) =	ssettag $0x0;
	lr =	simm.s32 $0x1  }
0x2: {  	[smem:$0x3F9D] =	sst lr;
	_ =	strace $0xD0000000  }
0x3: {  	_ = 	snop  }
0x4: {  	_ = 	snop  }
0x5: {  	_ = 	snop  }
0x6: {  	_ = 	snop  }
0x7: {  	_ = 	snop  }
__scs_overlays_trampoline_lowered:
0x8: {  	[smem:$0x3FAC] =	sst s0  }
0x9: {  	[smem:$0x3FAD] =	sst s1  }
0xa: {  	[smem:$0x3FAE] =	sst s2  }
0xb: {  	[smem:$0x3FAF] =	sst s3  }
0xc: {  	[smem:$0x3FB0] =	sst s4  }
0xd: {  	[smem:$0x3FB1] =	sst s5  }
0xe: {  	[smem:$0x3FB2] =	sst s6  }
0xf: {  	[smem:$0x3FB3] =	sst s7  }
0x10: {  	[smem:$0x3FB4] =	sst s8  }
0x11: {  	[smem:$0x3FB5] =	sst s9;
	s0 =	simm.s32 @!p0 $0x0  }
0x12: {  	s1 =	sld [smem:$0x3F9B];
	s0 =	simm.s32 @p0 $0x1  }
0x13: {  	[smem:$0x3FB6] =	sst s0;
	s0 =	simm.s32 @!p1 $0x0  }
0x14: {  	s2 =	sld [smem:$0x3F9A];
	s0 =	simm.s32 @p1 $0x1  }
0x15: {  	[smem:$0x3FB7] =	sst s0;
	s0 =	simm.s32 @!p2 $0x0  }
0x16: {  	s3 =	sld [smem:$0x3FDB];
	s0 =	simm.s32 @p2 $0x1  }
0x17: {  	s4 =	simm.s32 $0x1BF5;
	[smem:$0x3FB9] =	sst s0  }
0x18: {  	s0 =	sld [smem:$0x3F9C];
	_ =	swait.ge [sflag:s4], $0x0  }
0x19: {  	s7 =	sld [smem:$0x3F9D]  }
0x1a: {  	s8 =	sadd.s32 $0xFFFFE003, lr  }
0x1b: {  	s9 =	sadd.s32 $0xFFFFFEF7, lr;
	s5 =	simm.s32 $0xFFFFFFFF;
	p2 =	slt.u32 s8, $0xFFFFF086  }
0x1c: {  	p1 =	slt.u32 s9, $0xF7A;
	s5 =	simm.s32 @!p2 $0x0  }
0x1d: {  	s5 =	simm.s32 @p1 $0x1;
	p0 =	seq.s32 s7, s2  }
0x1e: {  	s7 =	smul.u32 @!p0 $0xF7A, s2;
	p2 =	seq.s32 @!p0 s5, $0x0  }
0x1f: {  	s9 =	smul.u32 $0xF7A, s1;
	s8 =	simm.s32 @!p0 $0x1BF5;
	p2 =	por !p2, p0  }
0x20: {  	[sflag:s8] =	ssyncset.s32 @!p0 $0xFFFFF086;
	s6 =	sadd.s32 @!p0 s3, s7;
	s7 =	simm.s32 @!p0 $0x108  }
0x21: {  	s3 =	sadd.s32 s3, s9;
	s6 =	sadd.s32 @!p0 $0x88, s6;
	s7 =	simm.s32 @p2 $0x1082  }
0x22: {  	[simem:s7], [sflag:s8] =	dma.local @!p0 [hbm:s6], $0xF7A  }
0x23: {  	s9 =	sor.u32 $0xD0000000, s2;
	s6 =	simm.s32 $0x108;
	_ =	swait.ge @!p0 [sflag:s8], $0x0  }
0x24: {  	s3 =	sadd.s32 $0x88, s3;
	s6 =	simm.s32 @!p1 $0x1082;
	[sflag:s4] =	ssyncset.s32 $0xFFFFF086  }
0x25: {  	[simem:s6], [sflag:s4] =	dma.local [hbm:s3], $0xF7A  }
0x26: {  	[smem:$0x3F9D] =	sst s1;
	(tag) =	ssettag s2;
	_ =	strace s9  }
0x27: {  	s1 =	sld [smem:$0x3FAD]  }
0x28: {  	s2 =	sld [smem:$0x3FAE]  }
0x29: {  	s4 =	sld [smem:$0x3FB0]  }
0x2a: {  	p0 =	seq.s32 s5, $0x0;
	s5 =	sld [smem:$0x3FB1]  }
0x2b: {  	s6 =	sld [smem:$0x3FB2]  }
0x2c: {  	s7 =	sld [smem:$0x3FB3]  }
0x2d: {  	s3 =	simm.s32 $0x108;
	s8 =	sld [smem:$0x3FB4]  }
0x2e: {  	s3 =	simm.s32 @!p0 $0x1082;
	s9 =	sld [smem:$0x3FB5]  }
0x2f: {  	lr =	sadd.s32 s0, s3;
	s0 =	sld [smem:$0x3FAC]  }
0x30: {  	s3 =	sld [smem:$0x3FAF]  }
0x31: {  	[smem:$0x3FB8] =	sst s10  }
0x32: {  	s10 =	sld [smem:$0x3FB6];
	_ =	sdelay $0x3  }
0x33: {  	p0 =	seq.s32 s10, $0x1;
	s10 =	sld [smem:$0x3FB8];
	_ =	sdelay $0x3  }
0x34: {  	[smem:$0x3FB8] =	sst s10  }
0x35: {  	s10 =	sld [smem:$0x3FB7];
	_ =	sdelay $0x3  }
0x36: {  	p1 =	seq.s32 s10, $0x1;
	s10 =	sld [smem:$0x3FB8];
	_ =	sdelay $0x3  }
0x37: {  	[smem:$0x3FB8] =	sst s10  }
0x38: {  	s10 =	sld [smem:$0x3FB9]  }
0x39: {  	_ = 	snop;
	(pc) =	sbr.ind lr, $3  }
0x3a: {  	_ = 	snop  }
0x3b: {  	_ = 	snop  }
0x3c: {  	p2 =	seq.s32 s10, $0x1;
	s10 =	sld [smem:$0x3FB8]  }
0x3d: {  	_ =	shalt  }
0x3e: {  	_ =	shalt  }
0x3f: {  	_ =	shalt  }
0x40: {  	_ =	shalt  }
0x41: {  	_ =	shalt  }
0x42: {  	_ =	shalt  }
0x43: {  	_ =	shalt  }
0x44: {  	_ =	shalt  }
0x45: {  	_ =	shalt  }
0x46: {  	_ =	shalt  }
0x47: {  	_ =	shalt  }
0x48: {  	_ =	shalt  }
0x49: {  	_ =	shalt  }
0x4a: {  	_ =	shalt  }
0x4b: {  	_ =	shalt  }
0x4c: {  	_ =	shalt  }
0x4d: {  	_ =	shalt  }
0x4e: {  	_ =	shalt  }
0x4f: {  	_ =	shalt  }
0x50: {  	_ =	shalt  }
0x51: {  	_ =	shalt  }
0x52: {  	_ =	shalt  }
0x53: {  	_ =	shalt  }
0x54: {  	_ =	shalt  }
0x55: {  	_ =	shalt  }
0x56: {  	_ =	shalt  }
0x57: {  	_ =	shalt  }
0x58: {  	_ =	shalt  }
0x59: {  	_ =	shalt  }
0x5a: {  	_ =	shalt  }
0x5b: {  	_ =	shalt  }
0x5c: {  	_ =	shalt  }
0x5d: {  	_ =	shalt  }
0x5e: {  	_ =	shalt  }
0x5f: {  	_ =	shalt  }
0x60: {  	_ =	shalt  }
0x61: {  	_ =	shalt  }
0x62: {  	_ =	shalt  }
0x63: {  	_ =	shalt  }
0x64: {  	_ =	shalt  }
0x65: {  	_ =	shalt  }
0x66: {  	_ =	shalt  }
0x67: {  	_ =	shalt  }
0x68: {  	_ =	shalt  }
0x69: {  	_ =	shalt  }
0x6a: {  	_ =	shalt  }
0x6b: {  	_ =	shalt  }
0x6c: {  	_ =	shalt  }
0x6d: {  	_ =	shalt  }
0x6e: {  	_ =	shalt  }
0x6f: {  	_ =	shalt  }
0x70: {  	_ =	shalt  }
0x71: {  	_ =	shalt  }
0x72: {  	_ =	shalt  }
0x73: {  	_ =	shalt  }
0x74: {  	_ =	shalt  }
0x75: {  	_ =	shalt  }
0x76: {  	_ =	shalt  }
0x77: {  	_ =	shalt  }
0x78: {  	_ =	shalt  }
0x79: {  	_ =	shalt  }
0x7a: {  	_ =	shalt  }
0x7b: {  	_ =	shalt  }
0x7c: {  	_ =	shalt  }
0x7d: {  	_ =	shalt  }
0x7e: {  	_ =	shalt  }
0x7f: {  	_ =	shalt  }
0x80: {  	_ =	shalt  }
0x81: {  	_ =	shalt  }
0x82: {  	_ =	shalt  }
0x83: {  	_ =	shalt  }
0x84: {  	_ =	shalt  }
0x85: {  	_ =	shalt  }
0x86: {  	_ =	shalt  }
0x87: {  	_ =	shalt  }
.Lfunc_end0:
.L_simem_size_0:
called_computation_lowered:
.L_overlay_start_0:
0x88: {  	s2 =	sld [smem:$0x3FD9]  }
0x89: {  	s3 =	sld [smem:$0x3FFE];
	_ =	sdelay $0x1  }
0x8a: {  	s1 =	srdreg.scid  }
0x8b: {  	s0 =	sand.u32 $0x1, s1  }
0x8c: {  	s17 =	sshll.u32 s0, $0xA;
	s2 =	sadd.s32 s3, s2  }
0x8d: {  	s2 =	sadd.s32 s2, s17  }
0x8e: {  	[smem:$0x3FC4] =	sst s2  }
0x8f: {  	_ = 	snop  }
0x90: {  	s2 =	sld [smem:$0x3FC8];
	(tm) =	ssettm $0x1  }
0x91: {  	s18 =	sld [smem:$0x3FFB];
	_ =	sdelay $0x3  }
0x92: {  	_ =	strace s18  }
0x93: {  	s3 =	sld [smem:$0x3FFC];
	_ =	sdelay $0x3  }
0x94: {  	_ =	strace s3  }
0x95: {  	s3 =	sld [smem:$0x3FFD];
	_ =	sdelay $0x3  }
0x96: {  	_ =	strace s3  }
0x97: {  	_ =	strace $0x8FFFFFFF  }
0x98: {  	s19 =	sld [smem:$0x3FDB];
	_ =	sdelay $0x1  }
0x99: {  	s4 =	simm.s32 $_scs_section_size  }
0x9a: {  	s5 =	simm.s32 $_size__tile_overlayer_lowered;
	s6 =	simm.s32 $_tile_overlayer_lowered  }
0x9b: {  	s22 =	simm.s32 $0x1BFF;
	s21 =	sshll.u32 s6, $0x1;
	s3 =	sadd.s32 s4, s19  }
0x9c: {  	s7 =	simm.s32 $0x0;
	s20 =	sshll.u32 s5, $0x1;
	s5 =	sadd.s32 s21, s3  }
0x9d: {  	[timem:s7], [sflag:s22] =	dma.local [hbm:s5], s20  }
0x9e: {  	_ =	swait.ge [sflag:s22], s20  }
0x9f: {  	s4 =	ssub.s32 $0x0, s20;
	[sflag:s22] =	ssyncset.done $0x0  }
0xa0: {  	[sflag:s22] =	ssyncadd.s32 s4;
	_ =	sdelay $0x1  }
0xa1: {  	s23 =	simm.s32 $0x1B8B  }
0xa2: {  	_ =	swait.ge [sflag:s23], $0x1  }
0xa3: {  	[sflag:s23] =	ssyncset.done $0x0  }
0xa4: {  	s25 =	simm.s32 $0x1B8E;
	s24 =	sld [smem:$0x3FFE];
	[sflag:s23] =	ssyncadd.s32 $0xFFFFFFFF  }
0xa5: {  	s26 =	simm.s32 $execute0_lowered;
	[smem:$0x3FD2] =	sst s25  }
0xa6: {  	s5 =	sshll.u32 s26, $0x1;
	_ =	strace $0x80000046;
	[dreg:$0x1] =	wrdreg $0xFFFFFFFF  }
0xa7: {  	s28 =	simm.s32 $_size_execute0_lowered;
	s3 =	sadd.s32 s3, s5;
	[dreg:$0x0] =	wrdreg $0x0  }
0xa8: {  	s5 =	sshll.u32 s28, $0x1;
	[dreg:$0x2] =	wrdreg s3  }
0xa9: {  	[dreg:$0x3] =	wrdreg s5  }
0xaa: {  	[dreg:$0x4] =	wrdreg $0xC0  }
0xab: {  	_ =	task [dreg:s7], $0x5FFFF  }
0xac: {  	[dreg:$0x1] =	wrdreg $0xFFFFFFFF  }
0xad: {  	[dreg:$0x0] =	wrdreg $0x60  }
0xae: {  	[dreg:$0x2] =	wrdreg s2  }
0xaf: {  	[dreg:$0x3] =	wrdreg s24  }
0xb0: {  	[dreg:$0x4] =	wrdreg $0x9  }
0xb1: {  	_ =	task.clear_ibuf [dreg:s7], $0x5FFFF;
	_ =	strace $0x90000046  }
0xb2: {  	s29 =	simm.s32 $0x9;
	_ =	strace $0x80000048  }
0xb3: {  	_ =	swait.ge [sflag:s29], $0x1  }
0xb4: {  	[sflag:s29] =	ssyncadd.s32 $0xFFFFFFFF  }
0xb5: {  	_ =	strace $0x90000048  }
0xb6: {  	_ =	sfence  }
0xb7: {  	s30 =	sld [smem:$0x0];
	_ =	sdelay $0x2  }
0xb8: {  	s31 =	sshll.u32 s1, $0xD;
	s1 =	sshrl.u32 s1, $0x2  }
0xb9: {  	s3 =	sand.u32 $0x4000, s31;
	s1 =	sadd.s32 s1, s30  }
0xba: {  	s0 =	sor.u32 s3, s0;
	s1 =	sshll.u32 s1, $0x11  }
0xbb: {  	s0 =	sor.u32 s1, s0  }
0xbc: {  	s0 =	sadd.s32 $0x8F2B, s0  }
0xbd: {  	[sflag:s0] =	ssyncadd.remote.s32 $0x1  }
0xbe: {  	_ =	sfence.sel $0xFFFF  }
0xbf: {  	[dreg:$0x0] =	wrdreg $0xFFFFFFFF;
	(pc) =	sbr.abs _section_cstart, $3  }
0xc0: {  	[dreg:$0x1] =	wrdreg $0xFFFFFFFF  }
0xc1: {  	_ =	task.clear_ibuf [dreg:s7], $0x2FFFF;
	_ =	strace $0x9FFFFFFF  }
0xc2: {  	(tm) =	ssettm $0x7FFFFFFF  }
0xc3: {  	_ =	shalt  }
tec
execute0_lowered:
.L_overlay_start_1:
0x0: {  	(tag) =	ssettag $0x1  }
0x1: {  	s0 =	srdreg.scid;
	s2 =	rddreg [dreg:$0x0]  }
0x2: {  	s1 =	stileid.u32;
	s4 =	rddreg [dreg:$0x1];
	s3 =	simm.s32 $0x0  }
0x3: {  	s12 =	simm.s32 $0x80;
	s28 =	simm.s32 $0xD080;
	s29 =	simm.s32 $0xD880  }
0x4: {  	s30 =	simm.s32 $0xE080;
	s0 =	sand.u32 $0x1, s0;
	s1 =	sshll.u32 s1, $0x1  }
0x5: {  	s31 =	simm.s32 $0xE880;
	s16 =	simm.s32 $0x10080;
	s1 =	sor.u32 s0, s1  }
0x6: {  	[smem:$0x7FF] =	sst s3;
	s6 =	sadd.s32 $0x1200, s4;
	s5 =	smul.u32 $0xE, s1  }
0x7: {  	s8 =	sadd.s32 $0x500, s2;
	s0 =	ssub.s32 $0x2, s0;
	s19 =	smul.u32 $0x38000, s1  }
0x8: {  	s9 =	sadd.s32 $0x600, s2;
	s7 =	sshrl.u32 s0, $0x1;
	s1 =	smul.u32 $0x7000, s1  }
0x9: {  	s10 =	sadd.s32 $0x700, s2;
	_ =	strace $0x80000047;
	s0 =	ssub.s32 s0, s7  }
0xa: {  	s5 =	sadd.s32 s5, s4;
	s20 =	sshrl.u32 s19, $0x3;
	s1 =	sadd.s32 s6, s1  }
0xb: {  	s5 =	sadd.s32 $0x1000, s5;
	s11 =	sadd.s32 s6, s20;
	[dreg:$0x4] =	wrdreg s1  }
0xc: {  	s7 =	sadd.s32 $0x400, s2;
	[dreg:$0x3] =	wrdreg s5;
	s21 =	sadd.s32 $0x1000, s11  }
0xd: {  	s4 =	sadd.s32 $0x100, s2;
	s22 =	sadd.s32 $0x2000, s11;
	[dreg:$0x5] =	wrdreg s21  }
0xe: {  	s19 =	simm.s32 $0x1;
	s23 =	sadd.s32 $0x3000, s11;
	[dreg:$0x6] =	wrdreg s22  }
0xf: {  	s6 =	sadd.s32 $0x300, s2;
	s24 =	sadd.s32 $0x4000, s11;
	[dreg:$0x7] =	wrdreg s23  }
0x10: {  	s1 =	simm.s32 $0x4;
	s25 =	sadd.s32 $0x5000, s11;
	[dreg:$0x8] =	wrdreg s24  }
0x11: {  	s20 =	simm.s32 $0x9880;
	s26 =	sadd.s32 $0x6000, s11;
	[dreg:$0x9] =	wrdreg s25  }
0x12: {  	v2 =	vlaneseq.u32;
	s5 =	sadd.s32 $0x200, s2;
	s11 =	smax.u32 s0, $0x1;
	[dreg:$0xa] =	wrdreg s26  }
0x13: {  	vm0 =	vmmov $0xffff;
	v1 =	vshrl.u32 v2, $0x3;
	s21 =	simm.s32 $0xA080;
	s22 =	simm.s32 $0xA880;
	s23 =	simm.s32 $0xB080  }
0x14: {  	v0 =	vand.u32 $0x7, v2;
	v2 =	vor.u32 $0x8, v2;
	v1 =	vmul.u32 $0x8, v1;
	s24 =	simm.s32 $0xB880;
	s25 =	simm.s32 $0xC080;
	s26 =	simm.s32 $0xC880  }
.LBB2_1:
0x15: {  	s17 =	rddreg [dreg:$0x3];
	s15 =	simm.s32 $0x7  }
0x16: {  	[tilespmem:s3], [sflag:$0x7] =	stream.linear.gather [hbm4b:s17+s3], $0x70, $0x38;
	[tilespmem:$0x18080] =	vst v63  }
0x17: {  	_ =	swait.ge [sflag:s15], $0x70  }
0x18: {  	[sflag:s15] =	ssyncset.done $0x0  }
0x19: {  	[sflag:s15] =	ssyncadd.s32 $0xFFFFFF90  }
0x1a: {  	v3 =	vld [tilespmem:$0x0];
	_ =	sdelay $0x4  }
0x1b: {  	v4 =	vshll.u32 v3, $0x4  }
0x1c: {  	v3 =	vand.u32 $0x7, v3;
	v4 =	vand.u32 $0xFFFFFF80, v4  }
0x1d: {  	v3 =	vor.u32 v3, v4  }
0x1e: {  	v4 =	vperm.xlane v3, v0;
	_ =	sdelay $0x1  }
0x1f: {  	v4 =	vadd.s32 v1, v4;
	_ =	sdelay $0x4  }
0x20: {  	[tilespmem:s12], [sflag:$0x1] =	stream.indirect_vreg.gather [hbm4b:s2+s3], $0x80, v4, vm0, $0xb8;
	[tilespmem:$0x18080] =	vst v63  }
0x21: {  	s0 =	simm.s32 $0x880  }
0x22: {  	[tilespmem:s0], [sflag:$0x1] =	stream.indirect_vreg.gather [hbm4b:s4+s3], $0x80, v4, vm0, $0xb8;
	[tilespmem:$0x18080] =	vst v63  }
0x23: {  	s17 =	simm.s32 $0x1080  }
0x24: {  	[tilespmem:s17], [sflag:$0x1] =	stream.indirect_vreg.gather [hbm4b:s5+s3], $0x80, v4, vm0, $0xb8;
	[tilespmem:$0x18080] =	vst v63  }
0x25: {  	s18 =	simm.s32 $0x1880  }
0x26: {  	[tilespmem:s18], [sflag:$0x1] =	stream.indirect_vreg.gather [hbm4b:s6+s3], $0x80, v4, vm0, $0xb8;
	[tilespmem:$0x18080] =	vst v63  }
0x27: {  	s13 =	simm.s32 $0x2080  }
0x28: {  	[tilespmem:s13], [sflag:$0x1] =	stream.indirect_vreg.gather [hbm4b:s7+s3], $0x80, v4, vm0, $0xb8;
	[tilespmem:$0x18080] =	vst v63  }
0x29: {  	s14 =	simm.s32 $0x2880;
	v3 =	vperm.xlane v3, v2  }
0x2a: {  	[tilespmem:s14], [sflag:$0x1] =	stream.indirect_vreg.gather [hbm4b:s8+s3], $0x80, v4, vm0, $0xb8;
	[tilespmem:$0x18080] =	vst v63  }
0x2b: {  	s15 =	simm.s32 $0x3080;
	v3 =	vadd.s32 v1, v3  }
0x2c: {  	[tilespmem:s15], [sflag:$0x1] =	stream.indirect_vreg.gather [hbm4b:s9+s3], $0x80, v4, vm0, $0xb8;
	[tilespmem:$0x18080] =	vst v63  }
0x2d: {  	s17 =	simm.s32 $0x3880  }
0x2e: {  	[tilespmem:s17], [sflag:$0x1] =	stream.indirect_vreg.gather [hbm4b:s10+s3], $0x80, v4, vm0, $0xb8;
	[tilespmem:$0x18080] =	vst v63  }
0x2f: {  	s18 =	simm.s32 $0x4080  }
0x30: {  	[tilespmem:s18], [sflag:$0x1] =	stream.indirect_vreg.gather [hbm4b:s2+s3], $0x80, v3, vm0, $0xb8;
	[tilespmem:$0x18080] =	vst v63  }
0x31: {  	s14 =	simm.s32 $0x4880  }
0x32: {  	[tilespmem:s14], [sflag:$0x1] =	stream.indirect_vreg.gather [hbm4b:s4+s3], $0x80, v3, vm0, $0xb8;
	[tilespmem:$0x18080] =	vst v63  }
0x33: {  	s15 =	simm.s32 $0x5080  }
0x34: {  	[tilespmem:s15], [sflag:$0x1] =	stream.indirect_vreg.gather [hbm4b:s5+s3], $0x80, v3, vm0, $0xb8;
	[tilespmem:$0x18080] =	vst v63  }
0x35: {  	s17 =	simm.s32 $0x5880  }
0x36: {  	[tilespmem:s17], [sflag:$0x1] =	stream.indirect_vreg.gather [hbm4b:s6+s3], $0x80, v3, vm0, $0xb8;
	[tilespmem:$0x18080] =	vst v63  }
0x37: {  	s18 =	simm.s32 $0x6080  }
0x38: {  	[tilespmem:s18], [sflag:$0x1] =	stream.indirect_vreg.gather [hbm4b:s7+s3], $0x80, v3, vm0, $0xb8;
	[tilespmem:$0x18080] =	vst v63  }
0x39: {  	s14 =	simm.s32 $0x6880  }
0x3a: {  	[tilespmem:s14], [sflag:$0x1] =	stream.indirect_vreg.gather [hbm4b:s8+s3], $0x80, v3, vm0, $0xb8;
	[tilespmem:$0x18080] =	vst v63  }
0x3b: {  	s15 =	simm.s32 $0x7080  }
0x3c: {  	[tilespmem:s15], [sflag:$0x1] =	stream.indirect_vreg.gather [hbm4b:s9+s3], $0x80, v3, vm0, $0xb8;
	[tilespmem:$0x18080] =	vst v63  }
0x3d: {  	s17 =	simm.s32 $0x7880  }
0x3e: {  	[tilespmem:s17], [sflag:$0x1] =	stream.indirect_vreg.gather [hbm4b:s10+s3], $0x80, v3, vm0, $0xb8;
	[tilespmem:$0x18080] =	vst v63  }
0x3f: {  	v3 =	vld [tilespmem:$0x10];
	_ =	sdelay $0x4  }
0x40: {  	v58 =	vshll.u32 v3, $0x4  }
0x41: {  	v3 =	vand.u32 $0x7, v3;
	v4 =	vand.u32 $0xFFFFFF80, v58  }
0x42: {  	v3 =	vor.u32 v3, v4  }
0x43: {  	v4 =	vperm.xlane v3, v0;
	_ =	sdelay $0x1  }
0x44: {  	v4 =	vadd.s32 v1, v4;
	_ =	sdelay $0x3  }
0x45: {  	s18 =	simm.s32 $0x8080  }
0x46: {  	[tilespmem:s18], [sflag:$0x2] =	stream.indirect_vreg.gather [hbm4b:s2+s3], $0x80, v4, vm0, $0xb8;
	[tilespmem:$0x18080] =	vst v63  }
0x47: {  	s18 =	simm.s32 $0x8880  }
0x48: {  	[tilespmem:s18], [sflag:$0x2] =	stream.indirect_vreg.gather [hbm4b:s4+s3], $0x80, v4, vm0, $0xb8;
	[tilespmem:$0x18080] =	vst v63  }
0x49: {  	s14 =	simm.s32 $0x9080  }
0x4a: {  	[tilespmem:s14], [sflag:$0x2] =	stream.indirect_vreg.gather [hbm4b:s5+s3], $0x80, v4, vm0, $0xb8;
	[tilespmem:$0x18080] =	vst v63  }
0x4b: {  	_ = 	snop  }
0x4c: {  	[tilespmem:s20], [sflag:$0x2] =	stream.indirect_vreg.gather [hbm4b:s6+s3], $0x80, v4, vm0, $0xb8;
	[tilespmem:$0x18080] =	vst v63  }
0x4d: {  	_ = 	snop  }
0x4e: {  	[tilespmem:s21], [sflag:$0x2] =	stream.indirect_vreg.gather [hbm4b:s7+s3], $0x80, v4, vm0, $0xb8;
	[tilespmem:$0x18080] =	vst v63  }
0x4f: {  	v3 =	vperm.xlane v3, v2  }
0x50: {  	[tilespmem:s22], [sflag:$0x2] =	stream.indirect_vreg.gather [hbm4b:s8+s3], $0x80, v4, vm0, $0xb8;
	[tilespmem:$0x18080] =	vst v63  }
0x51: {  	v3 =	vadd.s32 v1, v3  }
0x52: {  	[tilespmem:s23], [sflag:$0x2] =	stream.indirect_vreg.gather [hbm4b:s9+s3], $0x80, v4, vm0, $0xb8;
	[tilespmem:$0x18080] =	vst v63  }
0x53: {  	_ = 	snop  }
0x54: {  	[tilespmem:s24], [sflag:$0x2] =	stream.indirect_vreg.gather [hbm4b:s10+s3], $0x80, v4, vm0, $0xb8;
	[tilespmem:$0x18080] =	vst v63  }
0x55: {  	_ = 	snop  }
0x56: {  	[tilespmem:s25], [sflag:$0x2] =	stream.indirect_vreg.gather [hbm4b:s2+s3], $0x80, v3, vm0, $0xb8;
	[tilespmem:$0x18080] =	vst v63  }
0x57: {  	_ = 	snop  }
0x58: {  	[tilespmem:s26], [sflag:$0x2] =	stream.indirect_vreg.gather [hbm4b:s4+s3], $0x80, v3, vm0, $0xb8;
	[tilespmem:$0x18080] =	vst v63  }
0x59: {  	_ = 	snop  }
0x5a: {  	[tilespmem:s28], [sflag:$0x2] =	stream.indirect_vreg.gather [hbm4b:s5+s3], $0x80, v3, vm0, $0xb8;
	[tilespmem:$0x18080] =	vst v63  }
0x5b: {  	_ = 	snop  }
0x5c: {  	[tilespmem:s29], [sflag:$0x2] =	stream.indirect_vreg.gather [hbm4b:s6+s3], $0x80, v3, vm0, $0xb8;
	[tilespmem:$0x18080] =	vst v63  }
0x5d: {  	_ = 	snop  }
0x5e: {  	[tilespmem:s30], [sflag:$0x2] =	stream.indirect_vreg.gather [hbm4b:s7+s3], $0x80, v3, vm0, $0xb8;
	[tilespmem:$0x18080] =	vst v63  }
0x5f: {  	_ = 	snop  }
0x60: {  	[tilespmem:s31], [sflag:$0x2] =	stream.indirect_vreg.gather [hbm4b:s8+s3], $0x80, v3, vm0, $0xb8;
	[tilespmem:$0x18080] =	vst v63  }
0x61: {  	s15 =	simm.s32 $0xF080  }
0x62: {  	[tilespmem:s15], [sflag:$0x2] =	stream.indirect_vreg.gather [hbm4b:s9+s3], $0x80, v3, vm0, $0xb8;
	[tilespmem:$0x18080] =	vst v63  }
0x63: {  	s15 =	simm.s32 $0xF880  }
0x64: {  	[tilespmem:s15], [sflag:$0x2] =	stream.indirect_vreg.gather [hbm4b:s10+s3], $0x80, v3, vm0, $0xb8;
	[tilespmem:$0x18080] =	vst v63  }
0x65: {  	v3 =	vld [tilespmem:$0x20];
	_ =	sdelay $0x4  }
0x66: {  	v59 =	vshll.u32 v3, $0x4  }
0x67: {  	v3 =	vand.u32 $0x7, v3;
	v4 =	vand.u32 $0xFFFFFF80, v59  }
0x68: {  	v3 =	vor.u32 v3, v4  }
0x69: {  	v4 =	vperm.xlane v3, v0;
	_ =	sdelay $0x1  }
0x6a: {  	v4 =	vadd.s32 v1, v4;
	_ =	sdelay $0x4  }
0x6b: {  	[tilespmem:s16], [sflag:$0x3] =	stream.indirect_vreg.gather [hbm4b:s2+s3], $0x80, v4, vm0, $0xb8;
	[tilespmem:$0x18080] =	vst v63  }
0x6c: {  	s17 =	simm.s32 $0x10880  }
0x6d: {  	[tilespmem:s17], [sflag:$0x3] =	stream.indirect_vreg.gather [hbm4b:s4+s3], $0x80, v4, vm0, $0xb8;
	[tilespmem:$0x18080] =	vst v63  }
0x6e: {  	s14 =	simm.s32 $0x11080  }
0x6f: {  	[tilespmem:s14], [sflag:$0x3] =	stream.indirect_vreg.gather [hbm4b:s5+s3], $0x80, v4, vm0, $0xb8;
	[tilespmem:$0x18080] =	vst v63  }
0x70: {  	s17 =	simm.s32 $0x11880  }
0x71: {  	[tilespmem:s17], [sflag:$0x3] =	stream.indirect_vreg.gather [hbm4b:s6+s3], $0x80, v4, vm0, $0xb8;
	[tilespmem:$0x18080] =	vst v63  }
0x72: {  	s14 =	simm.s32 $0x12080  }
0x73: {  	[tilespmem:s14], [sflag:$0x3] =	stream.indirect_vreg.gather [hbm4b:s7+s3], $0x80, v4, vm0, $0xb8;
	[tilespmem:$0x18080] =	vst v63  }
0x74: {  	v3 =	vperm.xlane v3, v2;
	s17 =	simm.s32 $0x12880  }
0x75: {  	[tilespmem:s17], [sflag:$0x3] =	stream.indirect_vreg.gather [hbm4b:s8+s3], $0x80, v4, vm0, $0xb8;
	[tilespmem:$0x18080] =	vst v63  }
0x76: {  	v3 =	vadd.s32 v1, v3;
	s14 =	simm.s32 $0x13080  }
0x77: {  	[tilespmem:s14], [sflag:$0x3] =	stream.indirect_vreg.gather [hbm4b:s9+s3], $0x80, v4, vm0, $0xb8;
	[tilespmem:$0x18080] =	vst v63  }
0x78: {  	s17 =	simm.s32 $0x13880  }
0x79: {  	[tilespmem:s17], [sflag:$0x3] =	stream.indirect_vreg.gather [hbm4b:s10+s3], $0x80, v4, vm0, $0xb8;
	[tilespmem:$0x18080] =	vst v63  }
0x7a: {  	s14 =	simm.s32 $0x14080  }
0x7b: {  	[tilespmem:s14], [sflag:$0x3] =	stream.indirect_vreg.gather [hbm4b:s2+s3], $0x80, v3, vm0, $0xb8;
	[tilespmem:$0x18080] =	vst v63  }
0x7c: {  	s17 =	simm.s32 $0x14880  }
0x7d: {  	[tilespmem:s17], [sflag:$0x3] =	stream.indirect_vreg.gather [hbm4b:s4+s3], $0x80, v3, vm0, $0xb8;
	[tilespmem:$0x18080] =	vst v63  }
0x7e: {  	s14 =	simm.s32 $0x15080  }
0x7f: {  	[tilespmem:s14], [sflag:$0x3] =	stream.indirect_vreg.gather [hbm4b:s5+s3], $0x80, v3, vm0, $0xb8;
	[tilespmem:$0x18080] =	vst v63  }
0x80: {  	s17 =	simm.s32 $0x15880  }
0x81: {  	[tilespmem:s17], [sflag:$0x3] =	stream.indirect_vreg.gather [hbm4b:s6+s3], $0x80, v3, vm0, $0xb8;
	[tilespmem:$0x18080] =	vst v63  }
0x82: {  	s14 =	simm.s32 $0x16080  }
0x83: {  	[tilespmem:s14], [sflag:$0x3] =	stream.indirect_vreg.gather [hbm4b:s7+s3], $0x80, v3, vm0, $0xb8;
	[tilespmem:$0x18080] =	vst v63  }
0x84: {  	s17 =	simm.s32 $0x16880  }
0x85: {  	[tilespmem:s17], [sflag:$0x3] =	stream.indirect_vreg.gather [hbm4b:s8+s3], $0x80, v3, vm0, $0xb8;
	[tilespmem:$0x18080] =	vst v63  }
0x86: {  	s14 =	simm.s32 $0x17080  }
0x87: {  	[tilespmem:s14], [sflag:$0x3] =	stream.indirect_vreg.gather [hbm4b:s9+s3], $0x80, v3, vm0, $0xb8;
	[tilespmem:$0x18080] =	vst v63  }
0x88: {  	s17 =	simm.s32 $0x17880  }
0x89: {  	[tilespmem:s17], [sflag:$0x3] =	stream.indirect_vreg.gather [hbm4b:s10+s3], $0x80, v3, vm0, $0xb8;
	[tilespmem:$0x18080] =	vst v63  }
0x8a: {  	_ =	swait.ge [sflag:s19], $0x8000  }
0x8b: {  	[sflag:s19] =	ssyncset.done $0x0  }
0x8c: {  	s14 =	rddreg [dreg:$0x4];
	[sflag:s19] =	ssyncadd.s32 $0xFFFF8000  }
0x8d: {  	[hbm4b:s14+s3] =	stream.linear.scatter [tilespmem:s12], [sflag:$0x4], $0x8000, $0x38;
	[tilespmem:$0x18080] =	vst v63  }
0x8e: {  	_ =	swait.ge [sflag:s1], $0x8000  }
0x8f: {  	[sflag:s1] =	ssyncset.done $0x0  }
0x90: {  	[sflag:s1] =	ssyncadd.s32 $0xFFFF8000  }
0x91: {  	v3 =	vld [tilespmem:$0x30];
	_ =	sdelay $0x4  }
0x92: {  	v60 =	vshll.u32 v3, $0x4  }
0x93: {  	v3 =	vand.u32 $0x7, v3;
	v4 =	vand.u32 $0xFFFFFF80, v60  }
0x94: {  	v3 =	vor.u32 v3, v4  }
0x95: {  	v4 =	vperm.xlane v3, v0;
	_ =	sdelay $0x1  }
0x96: {  	v4 =	vadd.s32 v1, v4;
	_ =	sdelay $0x4  }
0x97: {  	[tilespmem:s12], [sflag:$0x1] =	stream.indirect_vreg.gather [hbm4b:s2+s3], $0x80, v4, vm0, $0xb8;
	[tilespmem:$0x18080] =	vst v63  }
0x98: {  	s17 =	simm.s32 $0x880  }
0x99: {  	[tilespmem:s17], [sflag:$0x1] =	stream.indirect_vreg.gather [hbm4b:s4+s3], $0x80, v4, vm0, $0xb8;
	[tilespmem:$0x18080] =	vst v63  }
0x9a: {  	s14 =	simm.s32 $0x1080  }
0x9b: {  	[tilespmem:s14], [sflag:$0x1] =	stream.indirect_vreg.gather [hbm4b:s5+s3], $0x80, v4, vm0, $0xb8;
	[tilespmem:$0x18080] =	vst v63  }
0x9c: {  	s17 =	simm.s32 $0x1880  }
0x9d: {  	[tilespmem:s17], [sflag:$0x1] =	stream.indirect_vreg.gather [hbm4b:s6+s3], $0x80, v4, vm0, $0xb8;
	[tilespmem:$0x18080] =	vst v63  }
0x9e: {  	s13 =	simm.s32 $0x2080  }
0x9f: {  	[tilespmem:s13], [sflag:$0x1] =	stream.indirect_vreg.gather [hbm4b:s7+s3], $0x80, v4, vm0, $0xb8;
	[tilespmem:$0x18080] =	vst v63  }
0xa0: {  	v3 =	vperm.xlane v3, v2;
	s14 =	simm.s32 $0x2880  }
0xa1: {  	[tilespmem:s14], [sflag:$0x1] =	stream.indirect_vreg.gather [hbm4b:s8+s3], $0x80, v4, vm0, $0xb8;
	[tilespmem:$0x18080] =	vst v63  }
0xa2: {  	v3 =	vadd.s32 v1, v3;
	s17 =	simm.s32 $0x3080  }
0xa3: {  	[tilespmem:s17], [sflag:$0x1] =	stream.indirect_vreg.gather [hbm4b:s9+s3], $0x80, v4, vm0, $0xb8;
	[tilespmem:$0x18080] =	vst v63  }
0xa4: {  	s13 =	simm.s32 $0x3880  }
0xa5: {  	[tilespmem:s13], [sflag:$0x1] =	stream.indirect_vreg.gather [hbm4b:s10+s3], $0x80, v4, vm0, $0xb8;
	[tilespmem:$0x18080] =	vst v63  }
0xa6: {  	s14 =	simm.s32 $0x4080  }
0xa7: {  	[tilespmem:s14], [sflag:$0x1] =	stream.indirect_vreg.gather [hbm4b:s2+s3], $0x80, v3, vm0, $0xb8;
	[tilespmem:$0x18080] =	vst v63  }
0xa8: {  	s17 =	simm.s32 $0x4880  }
0xa9: {  	[tilespmem:s17], [sflag:$0x1] =	stream.indirect_vreg.gather [hbm4b:s4+s3], $0x80, v3, vm0, $0xb8;
	[tilespmem:$0x18080] =	vst v63  }
0xaa: {  	s13 =	simm.s32 $0x5080  }
0xab: {  	[tilespmem:s13], [sflag:$0x1] =	stream.indirect_vreg.gather [hbm4b:s5+s3], $0x80, v3, vm0, $0xb8;
	[tilespmem:$0x18080] =	vst v63  }
0xac: {  	s14 =	simm.s32 $0x5880  }
0xad: {  	[tilespmem:s14], [sflag:$0x1] =	stream.indirect_vreg.gather [hbm4b:s6+s3], $0x80, v3, vm0, $0xb8;
	[tilespmem:$0x18080] =	vst v63  }
0xae: {  	s17 =	simm.s32 $0x6080  }
0xaf: {  	[tilespmem:s17], [sflag:$0x1] =	stream.indirect_vreg.gather [hbm4b:s7+s3], $0x80, v3, vm0, $0xb8;
	[tilespmem:$0x18080] =	vst v63  }
0xb0: {  	s13 =	simm.s32 $0x6880  }
0xb1: {  	[tilespmem:s13], [sflag:$0x1] =	stream.indirect_vreg.gather [hbm4b:s8+s3], $0x80, v3, vm0, $0xb8;
	[tilespmem:$0x18080] =	vst v63  }
0xb2: {  	s14 =	simm.s32 $0x7080  }
0xb3: {  	[tilespmem:s14], [sflag:$0x1] =	stream.indirect_vreg.gather [hbm4b:s9+s3], $0x80, v3, vm0, $0xb8;
	[tilespmem:$0x18080] =	vst v63  }
0xb4: {  	s0 =	simm.s32 $0x2;
	s17 =	simm.s32 $0x7880  }
0xb5: {  	[tilespmem:s17], [sflag:$0x1] =	stream.indirect_vreg.gather [hbm4b:s10+s3], $0x80, v3, vm0, $0xb8;
	[tilespmem:$0x18080] =	vst v63  }
0xb6: {  	_ =	swait.ge [sflag:s0], $0x8000  }
0xb7: {  	[sflag:s0] =	ssyncset.done $0x0  }
0xb8: {  	s14 =	simm.s32 $0x8080;
	s13 =	rddreg [dreg:$0x5];
	[sflag:s0] =	ssyncadd.s32 $0xFFFF8000  }
0xb9: {  	[hbm4b:s13+s3] =	stream.linear.scatter [tilespmem:s14], [sflag:$0x5], $0x8000, $0x38;
	[tilespmem:$0x18080] =	vst v63  }
0xba: {  	s13 =	simm.s32 $0x5  }
0xbb: {  	_ =	swait.ge [sflag:s13], $0x8000  }
0xbc: {  	[sflag:s13] =	ssyncset.done $0x0  }
0xbd: {  	[sflag:s13] =	ssyncadd.s32 $0xFFFF8000  }
0xbe: {  	v3 =	vld [tilespmem:$0x40];
	_ =	sdelay $0x4  }
0xbf: {  	v61 =	vshll.u32 v3, $0x4  }
0xc0: {  	v3 =	vand.u32 $0x7, v3;
	v4 =	vand.u32 $0xFFFFFF80, v61  }
0xc1: {  	v3 =	vor.u32 v3, v4  }
0xc2: {  	v4 =	vperm.xlane v3, v0;
	_ =	sdelay $0x1  }
0xc3: {  	v4 =	vadd.s32 v1, v4;
	_ =	sdelay $0x4  }
0xc4: {  	[tilespmem:s14], [sflag:$0x2] =	stream.indirect_vreg.gather [hbm4b:s2+s3], $0x80, v4, vm0, $0xb8;
	[tilespmem:$0x18080] =	vst v63  }
0xc5: {  	_ = 	snop  }
0xc6: {  	[tilespmem:s18], [sflag:$0x2] =	stream.indirect_vreg.gather [hbm4b:s4+s3], $0x80, v4, vm0, $0xb8;
	[tilespmem:$0x18080] =	vst v63  }
0xc7: {  	s17 =	simm.s32 $0x9080  }
0xc8: {  	[tilespmem:s17], [sflag:$0x2] =	stream.indirect_vreg.gather [hbm4b:s5+s3], $0x80, v4, vm0, $0xb8;
	[tilespmem:$0x18080] =	vst v63  }
0xc9: {  	_ = 	snop  }
0xca: {  	[tilespmem:s20], [sflag:$0x2] =	stream.indirect_vreg.gather [hbm4b:s6+s3], $0x80, v4, vm0, $0xb8;
	[tilespmem:$0x18080] =	vst v63  }
0xcb: {  	_ = 	snop  }
0xcc: {  	[tilespmem:s21], [sflag:$0x2] =	stream.indirect_vreg.gather [hbm4b:s7+s3], $0x80, v4, vm0, $0xb8;
	[tilespmem:$0x18080] =	vst v63  }
0xcd: {  	v3 =	vperm.xlane v3, v2  }
0xce: {  	[tilespmem:s22], [sflag:$0x2] =	stream.indirect_vreg.gather [hbm4b:s8+s3], $0x80, v4, vm0, $0xb8;
	[tilespmem:$0x18080] =	vst v63  }
0xcf: {  	v3 =	vadd.s32 v1, v3  }
0xd0: {  	[tilespmem:s23], [sflag:$0x2] =	stream.indirect_vreg.gather [hbm4b:s9+s3], $0x80, v4, vm0, $0xb8;
	[tilespmem:$0x18080] =	vst v63  }
0xd1: {  	_ = 	snop  }
0xd2: {  	[tilespmem:s24], [sflag:$0x2] =	stream.indirect_vreg.gather [hbm4b:s10+s3], $0x80, v4, vm0, $0xb8;
	[tilespmem:$0x18080] =	vst v63  }
0xd3: {  	_ = 	snop  }
0xd4: {  	[tilespmem:s25], [sflag:$0x2] =	stream.indirect_vreg.gather [hbm4b:s2+s3], $0x80, v3, vm0, $0xb8;
	[tilespmem:$0x18080] =	vst v63  }
0xd5: {  	_ = 	snop  }
0xd6: {  	[tilespmem:s26], [sflag:$0x2] =	stream.indirect_vreg.gather [hbm4b:s4+s3], $0x80, v3, vm0, $0xb8;
	[tilespmem:$0x18080] =	vst v63  }
0xd7: {  	_ = 	snop  }
0xd8: {  	[tilespmem:s28], [sflag:$0x2] =	stream.indirect_vreg.gather [hbm4b:s5+s3], $0x80, v3, vm0, $0xb8;
	[tilespmem:$0x18080] =	vst v63  }
0xd9: {  	_ = 	snop  }
0xda: {  	[tilespmem:s29], [sflag:$0x2] =	stream.indirect_vreg.gather [hbm4b:s6+s3], $0x80, v3, vm0, $0xb8;
	[tilespmem:$0x18080] =	vst v63  }
0xdb: {  	_ = 	snop  }
0xdc: {  	[tilespmem:s30], [sflag:$0x2] =	stream.indirect_vreg.gather [hbm4b:s7+s3], $0x80, v3, vm0, $0xb8;
	[tilespmem:$0x18080] =	vst v63  }
0xdd: {  	_ = 	snop  }
0xde: {  	[tilespmem:s31], [sflag:$0x2] =	stream.indirect_vreg.gather [hbm4b:s8+s3], $0x80, v3, vm0, $0xb8;
	[tilespmem:$0x18080] =	vst v63  }
0xdf: {  	s18 =	simm.s32 $0xF080  }
0xe0: {  	[tilespmem:s18], [sflag:$0x2] =	stream.indirect_vreg.gather [hbm4b:s9+s3], $0x80, v3, vm0, $0xb8;
	[tilespmem:$0x18080] =	vst v63  }
0xe1: {  	_ = 	snop  }
0xe2: {  	[tilespmem:s15], [sflag:$0x2] =	stream.indirect_vreg.gather [hbm4b:s10+s3], $0x80, v3, vm0, $0xb8;
	[tilespmem:$0x18080] =	vst v63  }
0xe3: {  	s15 =	simm.s32 $0x3  }
0xe4: {  	_ =	swait.ge [sflag:s15], $0x8000  }
0xe5: {  	[sflag:s15] =	ssyncset.done $0x0  }
0xe6: {  	s18 =	simm.s32 $0x6;
	s14 =	rddreg [dreg:$0x6];
	[sflag:s15] =	ssyncadd.s32 $0xFFFF8000  }
0xe7: {  	[hbm4b:s14+s3] =	stream.linear.scatter [tilespmem:s16], [sflag:$0x6], $0x8000, $0x38;
	[tilespmem:$0x18080] =	vst v63  }
0xe8: {  	_ =	swait.ge [sflag:s18], $0x8000  }
0xe9: {  	[sflag:s18] =	ssyncset.done $0x0  }
0xea: {  	[sflag:s18] =	ssyncadd.s32 $0xFFFF8000  }
0xeb: {  	v3 =	vld [tilespmem:$0x50];
	_ =	sdelay $0x4  }
0xec: {  	v62 =	vshll.u32 v3, $0x4  }
0xed: {  	v3 =	vand.u32 $0x7, v3;
	v4 =	vand.u32 $0xFFFFFF80, v62  }
0xee: {  	v3 =	vor.u32 v3, v4  }
0xef: {  	v4 =	vperm.xlane v3, v0;
	_ =	sdelay $0x1  }
0xf0: {  	v4 =	vadd.s32 v1, v4;
	_ =	sdelay $0x4  }
0xf1: {  	[tilespmem:s16], [sflag:$0x3] =	stream.indirect_vreg.gather [hbm4b:s2+s3], $0x80, v4, vm0, $0xb8;
	[tilespmem:$0x18080] =	vst v63  }
0xf2: {  	s17 =	simm.s32 $0x10880  }
0xf3: {  	[tilespmem:s17], [sflag:$0x3] =	stream.indirect_vreg.gather [hbm4b:s4+s3], $0x80, v4, vm0, $0xb8;
	[tilespmem:$0x18080] =	vst v63  }
0xf4: {  	s17 =	simm.s32 $0x11080  }
0xf5: {  	[tilespmem:s17], [sflag:$0x3] =	stream.indirect_vreg.gather [hbm4b:s5+s3], $0x80, v4, vm0, $0xb8;
	[tilespmem:$0x18080] =	vst v63  }
0xf6: {  	s17 =	simm.s32 $0x11880  }
0xf7: {  	[tilespmem:s17], [sflag:$0x3] =	stream.indirect_vreg.gather [hbm4b:s6+s3], $0x80, v4, vm0, $0xb8;
	[tilespmem:$0x18080] =	vst v63  }
0xf8: {  	s17 =	simm.s32 $0x12080  }
0xf9: {  	[tilespmem:s17], [sflag:$0x3] =	stream.indirect_vreg.gather [hbm4b:s7+s3], $0x80, v4, vm0, $0xb8;
	[tilespmem:$0x18080] =	vst v63  }
0xfa: {  	v3 =	vperm.xlane v3, v2;
	s17 =	simm.s32 $0x12880  }
0xfb: {  	[tilespmem:s17], [sflag:$0x3] =	stream.indirect_vreg.gather [hbm4b:s8+s3], $0x80, v4, vm0, $0xb8;
	[tilespmem:$0x18080] =	vst v63  }
0xfc: {  	v3 =	vadd.s32 v1, v3;
	s17 =	simm.s32 $0x13080  }
0xfd: {  	[tilespmem:s17], [sflag:$0x3] =	stream.indirect_vreg.gather [hbm4b:s9+s3], $0x80, v4, vm0, $0xb8;
	[tilespmem:$0x18080] =	vst v63  }
0xfe: {  	s17 =	simm.s32 $0x13880  }
0xff: {  	[tilespmem:s17], [sflag:$0x3] =	stream.indirect_vreg.gather [hbm4b:s10+s3], $0x80, v4, vm0, $0xb8;
	[tilespmem:$0x18080] =	vst v63  }
0x100: {  	s17 =	simm.s32 $0x14080  }
0x101: {  	[tilespmem:s17], [sflag:$0x3] =	stream.indirect_vreg.gather [hbm4b:s2+s3], $0x80, v3, vm0, $0xb8;
	[tilespmem:$0x18080] =	vst v63  }
0x102: {  	s17 =	simm.s32 $0x14880  }
0x103: {  	[tilespmem:s17], [sflag:$0x3] =	stream.indirect_vreg.gather [hbm4b:s4+s3], $0x80, v3, vm0, $0xb8;
	[tilespmem:$0x18080] =	vst v63  }
0x104: {  	s17 =	simm.s32 $0x15080  }
0x105: {  	[tilespmem:s17], [sflag:$0x3] =	stream.indirect_vreg.gather [hbm4b:s5+s3], $0x80, v3, vm0, $0xb8;
	[tilespmem:$0x18080] =	vst v63  }
0x106: {  	s17 =	simm.s32 $0x15880  }
0x107: {  	[tilespmem:s17], [sflag:$0x3] =	stream.indirect_vreg.gather [hbm4b:s6+s3], $0x80, v3, vm0, $0xb8;
	[tilespmem:$0x18080] =	vst v63  }
0x108: {  	s17 =	simm.s32 $0x16080  }
0x109: {  	[tilespmem:s17], [sflag:$0x3] =	stream.indirect_vreg.gather [hbm4b:s7+s3], $0x80, v3, vm0, $0xb8;
	[tilespmem:$0x18080] =	vst v63  }
0x10a: {  	s17 =	simm.s32 $0x16880  }
0x10b: {  	[tilespmem:s17], [sflag:$0x3] =	stream.indirect_vreg.gather [hbm4b:s8+s3], $0x80, v3, vm0, $0xb8;
	[tilespmem:$0x18080] =	vst v63  }
0x10c: {  	s17 =	simm.s32 $0x17080  }
0x10d: {  	[tilespmem:s17], [sflag:$0x3] =	stream.indirect_vreg.gather [hbm4b:s9+s3], $0x80, v3, vm0, $0xb8;
	[tilespmem:$0x18080] =	vst v63  }
0x10e: {  	s17 =	simm.s32 $0x17880  }
0x10f: {  	[tilespmem:s17], [sflag:$0x3] =	stream.indirect_vreg.gather [hbm4b:s10+s3], $0x80, v3, vm0, $0xb8;
	[tilespmem:$0x18080] =	vst v63  }
0x110: {  	_ =	swait.ge [sflag:s19], $0x8000  }
0x111: {  	[sflag:s19] =	ssyncset.done $0x0  }
0x112: {  	s14 =	rddreg [dreg:$0x7];
	[sflag:s19] =	ssyncadd.s32 $0xFFFF8000  }
0x113: {  	[hbm4b:s14+s3] =	stream.linear.scatter [tilespmem:s12], [sflag:$0x4], $0x8000, $0x38;
	[tilespmem:$0x18080] =	vst v63  }
0x114: {  	_ =	swait.ge [sflag:s1], $0x8000  }
0x115: {  	[sflag:s1] =	ssyncset.done $0x0  }
0x116: {  	[sflag:s1] =	ssyncadd.s32 $0xFFFF8000  }
0x117: {  	v3 =	vld [tilespmem:$0x60];
	_ =	sdelay $0x4  }
0x118: {  	v63 =	vshll.u32 v3, $0x4  }
0x119: {  	v3 =	vand.u32 $0x7, v3;
	v4 =	vand.u32 $0xFFFFFF80, v63  }
0x11a: {  	v3 =	vor.u32 v3, v4  }
0x11b: {  	v4 =	vperm.xlane v3, v0;
	_ =	sdelay $0x1  }
0x11c: {  	v4 =	vadd.s32 v1, v4;
	_ =	sdelay $0x4  }
0x11d: {  	[tilespmem:s12], [sflag:$0x1] =	stream.indirect_vreg.gather [hbm4b:s2+s3], $0x80, v4, vm0, $0xb8;
	[tilespmem:$0x18080] =	vst v63  }
0x11e: {  	s17 =	simm.s32 $0x880  }
0x11f: {  	[tilespmem:s17], [sflag:$0x1] =	stream.indirect_vreg.gather [hbm4b:s4+s3], $0x80, v4, vm0, $0xb8;
	[tilespmem:$0x18080] =	vst v63  }
0x120: {  	s17 =	simm.s32 $0x1080  }
0x121: {  	[tilespmem:s17], [sflag:$0x1] =	stream.indirect_vreg.gather [hbm4b:s5+s3], $0x80, v4, vm0, $0xb8;
	[tilespmem:$0x18080] =	vst v63  }
0x122: {  	s17 =	simm.s32 $0x1880  }
0x123: {  	[tilespmem:s17], [sflag:$0x1] =	stream.indirect_vreg.gather [hbm4b:s6+s3], $0x80, v4, vm0, $0xb8;
	[tilespmem:$0x18080] =	vst v63  }
0x124: {  	s17 =	simm.s32 $0x2080  }
0x125: {  	[tilespmem:s17], [sflag:$0x1] =	stream.indirect_vreg.gather [hbm4b:s7+s3], $0x80, v4, vm0, $0xb8;
	[tilespmem:$0x18080] =	vst v63  }
0x126: {  	v3 =	vperm.xlane v3, v2;
	s17 =	simm.s32 $0x2880  }
0x127: {  	[tilespmem:s17], [sflag:$0x1] =	stream.indirect_vreg.gather [hbm4b:s8+s3], $0x80, v4, vm0, $0xb8;
	[tilespmem:$0x18080] =	vst v63  }
0x128: {  	v3 =	vadd.s32 v1, v3;
	s17 =	simm.s32 $0x3080  }
0x129: {  	[tilespmem:s17], [sflag:$0x1] =	stream.indirect_vreg.gather [hbm4b:s9+s3], $0x80, v4, vm0, $0xb8;
	[tilespmem:$0x18080] =	vst v63  }
0x12a: {  	s17 =	simm.s32 $0x3880  }
0x12b: {  	[tilespmem:s17], [sflag:$0x1] =	stream.indirect_vreg.gather [hbm4b:s10+s3], $0x80, v4, vm0, $0xb8;
	[tilespmem:$0x18080] =	vst v63  }
0x12c: {  	s17 =	simm.s32 $0x4080  }
0x12d: {  	[tilespmem:s17], [sflag:$0x1] =	stream.indirect_vreg.gather [hbm4b:s2+s3], $0x80, v3, vm0, $0xb8;
	[tilespmem:$0x18080] =	vst v63  }
0x12e: {  	s17 =	simm.s32 $0x4880  }
0x12f: {  	[tilespmem:s17], [sflag:$0x1] =	stream.indirect_vreg.gather [hbm4b:s4+s3], $0x80, v3, vm0, $0xb8;
	[tilespmem:$0x18080] =	vst v63  }
0x130: {  	s17 =	simm.s32 $0x5080  }
0x131: {  	[tilespmem:s17], [sflag:$0x1] =	stream.indirect_vreg.gather [hbm4b:s5+s3], $0x80, v3, vm0, $0xb8;
	[tilespmem:$0x18080] =	vst v63  }
0x132: {  	s17 =	simm.s32 $0x5880  }
0x133: {  	[tilespmem:s17], [sflag:$0x1] =	stream.indirect_vreg.gather [hbm4b:s6+s3], $0x80, v3, vm0, $0xb8;
	[tilespmem:$0x18080] =	vst v63  }
0x134: {  	s17 =	simm.s32 $0x6080  }
0x135: {  	[tilespmem:s17], [sflag:$0x1] =	stream.indirect_vreg.gather [hbm4b:s7+s3], $0x80, v3, vm0, $0xb8;
	[tilespmem:$0x18080] =	vst v63  }
0x136: {  	s17 =	simm.s32 $0x6880  }
0x137: {  	[tilespmem:s17], [sflag:$0x1] =	stream.indirect_vreg.gather [hbm4b:s8+s3], $0x80, v3, vm0, $0xb8;
	[tilespmem:$0x18080] =	vst v63  }
0x138: {  	s17 =	simm.s32 $0x7080  }
0x139: {  	[tilespmem:s17], [sflag:$0x1] =	stream.indirect_vreg.gather [hbm4b:s9+s3], $0x80, v3, vm0, $0xb8;
	[tilespmem:$0x18080] =	vst v63  }
0x13a: {  	s17 =	simm.s32 $0x7880  }
0x13b: {  	[tilespmem:s17], [sflag:$0x1] =	stream.indirect_vreg.gather [hbm4b:s10+s3], $0x80, v3, vm0, $0xb8;
	[tilespmem:$0x18080] =	vst v63  }
0x13c: {  	_ =	swait.ge [sflag:s0], $0x8000  }
0x13d: {  	[sflag:s0] =	ssyncset.done $0x0  }
0x13e: {  	s14 =	simm.s32 $0x8080;
	s17 =	rddreg [dreg:$0x8];
	[sflag:s0] =	ssyncadd.s32 $0xFFFF8000  }
0x13f: {  	[hbm4b:s17+s3] =	stream.linear.scatter [tilespmem:s14], [sflag:$0x5], $0x8000, $0x38;
	[tilespmem:$0x18080] =	vst v63  }
0x140: {  	_ =	swait.ge [sflag:s15], $0x8000  }
0x141: {  	[sflag:s15] =	ssyncset.done $0x0  }
0x142: {  	s14 =	rddreg [dreg:$0x9];
	[sflag:s15] =	ssyncadd.s32 $0xFFFF8000  }
0x143: {  	[hbm4b:s14+s3] =	stream.linear.scatter [tilespmem:s16], [sflag:$0x6], $0x8000, $0x38;
	[tilespmem:$0x18080] =	vst v63  }
0x144: {  	_ =	swait.ge [sflag:s19], $0x8000  }
0x145: {  	[sflag:s19] =	ssyncset.done $0x0  }
0x146: {  	s15 =	rddreg [dreg:$0xa];
	[sflag:s19] =	ssyncadd.s32 $0xFFFF8000  }
0x147: {  	[hbm4b:s15+s3] =	stream.linear.scatter [tilespmem:s12], [sflag:$0x4], $0x8000, $0x38;
	[tilespmem:$0x18080] =	vst v63  }
0x148: {  	_ =	swait.ge [sflag:s13], $0x8000  }
0x149: {  	[sflag:s13] =	ssyncset.done $0x0  }
0x14a: {  	[sflag:s13] =	ssyncadd.s32 $0xFFFF8000  }
0x14b: {  	p0 =	sne.s32 s11, $0x1;
	_ =	swait.ge [sflag:s18], $0x8000  }
.Ltmp0:
0x14c: {  	[sflag:s18] =	ssyncset.done $0x0;
	(pc) =	sbr.rel @p0 .LBB2_1-.Ltmp0, $4  }
0x14d: {  	[sflag:s18] =	ssyncadd.s32 $0xFFFF8000  }
0x14e: {  	_ =	swait.ge [sflag:s1], $0x8000  }
0x14f: {  	[sflag:s1] =	ssyncset.done $0x0  }
0x150: {  	s11 =	sadd.s32 $0xFFFFFFFF, s11;
	[sflag:s1] =	ssyncadd.s32 $0xFFFF8000  }
0x151: {  	_ =	sfence.sel $0x180000  }
0x152: {  	[bflag:$0x0] =	sbarrier.arrive $0xFFFF  }
0x153: {  	_ =	strace $0x90000047  }
0x154: {  	s0 =	stileid.u32;
	[bflag:$0x2] =	sbarrier.arrive $0xFFFF  }
0x155: {  	p0 =	sne.s32 s0, $0x0;
	s0 =	rddreg [dreg:$0x2]  }
0x156: {  	s0 =	sadd.s32 @!p0 $0x100000, s0  }
0x157: {  	[sflag:s0] =	ssyncadd.tile.s32 @!p0 $0x1;
	_ =	shalt  }
.Lfunc_end2:
_tile_overlayer_lowered:
.L_overlay_start_2:
0x158: {  	(tag) =	ssettag $0x2  }
0x159: {  	s0 =	rddreg [dreg:$0x0];
	s2 =	stileid.u32  }
0x15a: {  	s1 =	rddreg [dreg:$0x1];
	p0 =	sne.s32 s2, $0x0  }
0x15b: {  	s3 =	rddreg [dreg:$0x2];
	[bflag:$0x3] =	sbarrier.arrive $0xFFFF;
	s2 =	simm.s32 @!p0 $0x1C07  }
0x15c: {  	[timem:s3], [sflag:s2] =	dma.local @!p0 [hbm:s0], s1  }
0x15d: {  	s0 =	simm.s32 @!p0 $0x7  }
0x15e: {  	_ =	swait.ge @!p0 [sflag:s0], s1  }
0x15f: {  	s1 =	ssub.s32 @!p0 $0x0, s1;
	[sflag:s0] =	ssyncset.done @!p0 $0x0  }
0x160: {  	[sflag:s0] =	ssyncadd.s32 @!p0 s1  }
0x161: {  	[bflag:$0x3] =	sbarrier.arrive $0xFFFF  }
0x162: {  	_ =	shalt  }

// kernel: kernel.9.cloned.1.call-start
scs
__scs_entry_jumppad:
0x0: {  	(pc) =	sbr.rel $0x88, $3  }
0x1: {  	(tag) =	ssettag $0x0;
	lr =	simm.s32 $0x1  }
0x2: {  	[smem:$0x3F9D] =	sst lr;
	_ =	strace $0xD0000000  }
0x3: {  	_ = 	snop  }
0x4: {  	_ = 	snop  }
0x5: {  	_ = 	snop  }
0x6: {  	_ = 	snop  }
0x7: {  	_ = 	snop  }
__scs_overlays_trampoline_lowered:
0x8: {  	[smem:$0x3FAC] =	sst s0  }
0x9: {  	[smem:$0x3FAD] =	sst s1  }
0xa: {  	[smem:$0x3FAE] =	sst s2  }
0xb: {  	[smem:$0x3FAF] =	sst s3  }
0xc: {  	[smem:$0x3FB0] =	sst s4  }
0xd: {  	[smem:$0x3FB1] =	sst s5  }
0xe: {  	[smem:$0x3FB2] =	sst s6  }
0xf: {  	[smem:$0x3FB3] =	sst s7  }
0x10: {  	[smem:$0x3FB4] =	sst s8  }
0x11: {  	[smem:$0x3FB5] =	sst s9;
	s0 =	simm.s32 @!p0 $0x0  }
0x12: {  	s1 =	sld [smem:$0x3F9B];
	s0 =	simm.s32 @p0 $0x1  }
0x13: {  	[smem:$0x3FB6] =	sst s0;
	s0 =	simm.s32 @!p1 $0x0  }
0x14: {  	s2 =	sld [smem:$0x3F9A];
	s0 =	simm.s32 @p1 $0x1  }
0x15: {  	[smem:$0x3FB7] =	sst s0;
	s0 =	simm.s32 @!p2 $0x0  }
0x16: {  	s3 =	sld [smem:$0x3FDB];
	s0 =	simm.s32 @p2 $0x1  }
0x17: {  	s4 =	simm.s32 $0x1BF5;
	[smem:$0x3FB9] =	sst s0  }
0x18: {  	s0 =	sld [smem:$0x3F9C];
	_ =	swait.ge [sflag:s4], $0x0  }
0x19: {  	s7 =	sld [smem:$0x3F9D]  }
0x1a: {  	s8 =	sadd.s32 $0xFFFFE003, lr  }
0x1b: {  	s9 =	sadd.s32 $0xFFFFFEF7, lr;
	s5 =	simm.s32 $0xFFFFFFFF;
	p2 =	slt.u32 s8, $0xFFFFF086  }
0x1c: {  	p1 =	slt.u32 s9, $0xF7A;
	s5 =	simm.s32 @!p2 $0x0  }
0x1d: {  	s5 =	simm.s32 @p1 $0x1;
	p0 =	seq.s32 s7, s2  }
0x1e: {  	s7 =	smul.u32 @!p0 $0xF7A, s2;
	p2 =	seq.s32 @!p0 s5, $0x0  }
0x1f: {  	s9 =	smul.u32 $0xF7A, s1;
	s8 =	simm.s32 @!p0 $0x1BF5;
	p2 =	por !p2, p0  }
0x20: {  	[sflag:s8] =	ssyncset.s32 @!p0 $0xFFFFF086;
	s6 =	sadd.s32 @!p0 s3, s7;
	s7 =	simm.s32 @!p0 $0x108  }
0x21: {  	s3 =	sadd.s32 s3, s9;
	s6 =	sadd.s32 @!p0 $0x88, s6;
	s7 =	simm.s32 @p2 $0x1082  }
0x22: {  	[simem:s7], [sflag:s8] =	dma.local @!p0 [hbm:s6], $0xF7A  }
0x23: {  	s9 =	sor.u32 $0xD0000000, s2;
	s6 =	simm.s32 $0x108;
	_ =	swait.ge @!p0 [sflag:s8], $0x0  }
0x24: {  	s3 =	sadd.s32 $0x88, s3;
	s6 =	simm.s32 @!p1 $0x1082;
	[sflag:s4] =	ssyncset.s32 $0xFFFFF086  }
0x25: {  	[simem:s6], [sflag:s4] =	dma.local [hbm:s3], $0xF7A  }
0x26: {  	[smem:$0x3F9D] =	sst s1;
	(tag) =	ssettag s2;
	_ =	strace s9  }
0x27: {  	s1 =	sld [smem:$0x3FAD]  }
0x28: {  	s2 =	sld [smem:$0x3FAE]  }
0x29: {  	s4 =	sld [smem:$0x3FB0]  }
0x2a: {  	p0 =	seq.s32 s5, $0x0;
	s5 =	sld [smem:$0x3FB1]  }
0x2b: {  	s6 =	sld [smem:$0x3FB2]  }
0x2c: {  	s7 =	sld [smem:$0x3FB3]  }
0x2d: {  	s3 =	simm.s32 $0x108;
	s8 =	sld [smem:$0x3FB4]  }
0x2e: {  	s3 =	simm.s32 @!p0 $0x1082;
	s9 =	sld [smem:$0x3FB5]  }
0x2f: {  	lr =	sadd.s32 s0, s3;
	s0 =	sld [smem:$0x3FAC]  }
0x30: {  	s3 =	sld [smem:$0x3FAF]  }
0x31: {  	[smem:$0x3FB8] =	sst s10  }
0x32: {  	s10 =	sld [smem:$0x3FB6];
	_ =	sdelay $0x3  }
0x33: {  	p0 =	seq.s32 s10, $0x1;
	s10 =	sld [smem:$0x3FB8];
	_ =	sdelay $0x3  }
0x34: {  	[smem:$0x3FB8] =	sst s10  }
0x35: {  	s10 =	sld [smem:$0x3FB7];
	_ =	sdelay $0x3  }
0x36: {  	p1 =	seq.s32 s10, $0x1;
	s10 =	sld [smem:$0x3FB8];
	_ =	sdelay $0x3  }
0x37: {  	[smem:$0x3FB8] =	sst s10  }
0x38: {  	s10 =	sld [smem:$0x3FB9]  }
0x39: {  	_ = 	snop;
	(pc) =	sbr.ind lr, $3  }
0x3a: {  	_ = 	snop  }
0x3b: {  	_ = 	snop  }
0x3c: {  	p2 =	seq.s32 s10, $0x1;
	s10 =	sld [smem:$0x3FB8]  }
0x3d: {  	_ =	shalt  }
0x3e: {  	_ =	shalt  }
0x3f: {  	_ =	shalt  }
0x40: {  	_ =	shalt  }
0x41: {  	_ =	shalt  }
0x42: {  	_ =	shalt  }
0x43: {  	_ =	shalt  }
0x44: {  	_ =	shalt  }
0x45: {  	_ =	shalt  }
0x46: {  	_ =	shalt  }
0x47: {  	_ =	shalt  }
0x48: {  	_ =	shalt  }
0x49: {  	_ =	shalt  }
0x4a: {  	_ =	shalt  }
0x4b: {  	_ =	shalt  }
0x4c: {  	_ =	shalt  }
0x4d: {  	_ =	shalt  }
0x4e: {  	_ =	shalt  }
0x4f: {  	_ =	shalt  }
0x50: {  	_ =	shalt  }
0x51: {  	_ =	shalt  }
0x52: {  	_ =	shalt  }
0x53: {  	_ =	shalt  }
0x54: {  	_ =	shalt  }
0x55: {  	_ =	shalt  }
0x56: {  	_ =	shalt  }
0x57: {  	_ =	shalt  }
0x58: {  	_ =	shalt  }
0x59: {  	_ =	shalt  }
0x5a: {  	_ =	shalt  }
0x5b: {  	_ =	shalt  }
0x5c: {  	_ =	shalt  }
0x5d: {  	_ =	shalt  }
0x5e: {  	_ =	shalt  }
0x5f: {  	_ =	shalt  }
0x60: {  	_ =	shalt  }
0x61: {  	_ =	shalt  }
0x62: {  	_ =	shalt  }
0x63: {  	_ =	shalt  }
0x64: {  	_ =	shalt  }
0x65: {  	_ =	shalt  }
0x66: {  	_ =	shalt  }
0x67: {  	_ =	shalt  }
0x68: {  	_ =	shalt  }
0x69: {  	_ =	shalt  }
0x6a: {  	_ =	shalt  }
0x6b: {  	_ =	shalt  }
0x6c: {  	_ =	shalt  }
0x6d: {  	_ =	shalt  }
0x6e: {  	_ =	shalt  }
0x6f: {  	_ =	shalt  }
0x70: {  	_ =	shalt  }
0x71: {  	_ =	shalt  }
0x72: {  	_ =	shalt  }
0x73: {  	_ =	shalt  }
0x74: {  	_ =	shalt  }
0x75: {  	_ =	shalt  }
0x76: {  	_ =	shalt  }
0x77: {  	_ =	shalt  }
0x78: {  	_ =	shalt  }
0x79: {  	_ =	shalt  }
0x7a: {  	_ =	shalt  }
0x7b: {  	_ =	shalt  }
0x7c: {  	_ =	shalt  }
0x7d: {  	_ =	shalt  }
0x7e: {  	_ =	shalt  }
0x7f: {  	_ =	shalt  }
0x80: {  	_ =	shalt  }
0x81: {  	_ =	shalt  }
0x82: {  	_ =	shalt  }
0x83: {  	_ =	shalt  }
0x84: {  	_ =	shalt  }
0x85: {  	_ =	shalt  }
0x86: {  	_ =	shalt  }
0x87: {  	_ =	shalt  }
.Lfunc_end0:
.L_simem_size_0:
called_computation.1_lowered:
.L_overlay_start_0:
0x88: {  	s2 =	sld [smem:$0x3FD9]  }
0x89: {  	s3 =	sld [smem:$0x3FFE];
	_ =	sdelay $0x1  }
0x8a: {  	s1 =	srdreg.scid  }
0x8b: {  	s0 =	sand.u32 $0x1, s1  }
0x8c: {  	s17 =	sshll.u32 s0, $0xA;
	s2 =	sadd.s32 s3, s2  }
0x8d: {  	s2 =	sadd.s32 s2, s17  }
0x8e: {  	[smem:$0x3FC4] =	sst s2  }
0x8f: {  	_ = 	snop  }
0x90: {  	s18 =	sld [smem:$0x3FC8];
	(tm) =	ssettm $0x1  }
0x91: {  	s19 =	sld [smem:$0x3FFB];
	_ =	sdelay $0x3  }
0x92: {  	_ =	strace s19  }
0x93: {  	s2 =	sld [smem:$0x3FFC];
	_ =	sdelay $0x3  }
0x94: {  	_ =	strace s2  }
0x95: {  	s2 =	sld [smem:$0x3FFD];
	_ =	sdelay $0x3  }
0x96: {  	_ =	strace s2  }
0x97: {  	_ =	strace $0x8FFFFFFF  }
0x98: {  	s20 =	sld [smem:$0x3FDB];
	_ =	sdelay $0x1  }
0x99: {  	s4 =	simm.s32 $_scs_section_size  }
0x9a: {  	s5 =	simm.s32 $_size__tile_overlayer_lowered;
	s6 =	simm.s32 $_tile_overlayer_lowered  }
0x9b: {  	s7 =	simm.s32 $0x1BFF;
	s21 =	sshll.u32 s6, $0x1;
	s4 =	sadd.s32 s4, s20  }
0x9c: {  	s22 =	simm.s32 $0x0;
	s5 =	sshll.u32 s5, $0x1;
	s6 =	sadd.s32 s21, s4  }
0x9d: {  	[timem:s22], [sflag:s7] =	dma.local [hbm:s6], s5  }
0x9e: {  	_ =	swait.ge [sflag:s7], s5  }
0x9f: {  	s5 =	ssub.s32 $0x0, s5;
	[sflag:s7] =	ssyncset.done $0x0  }
0xa0: {  	[sflag:s7] =	ssyncadd.s32 s5;
	_ =	sdelay $0x1  }
0xa1: {  	s23 =	simm.s32 $0x1B8B  }
0xa2: {  	_ =	swait.ge [sflag:s23], $0x1  }
0xa3: {  	[sflag:s23] =	ssyncset.done $0x0  }
0xa4: {  	[sflag:s23] =	ssyncadd.s32 $0xFFFFFFFF  }
0xa5: {  	s5 =	sld [smem:$0x0]  }
0xa6: {  	s6 =	sand.u32 $0xFFFFFFFE, s1  }
0xa7: {  	p0 =	sne.s32 s1, s6  }
0xa8: {  	s6 =	sshll.u32 @p0 s6, $0xE  }
0xa9: {  	s6 =	sadd.s32 @p0 $0x11B8D, s6;
	s7 =	sshll.u32 @p0 s5, $0x11  }
0xaa: {  	s6 =	sor.u32 @p0 s7, s6  }
0xab: {  	[sflag:s6] =	ssyncadd.remote.s32 @p0 $0x1;
	_ =	sdelay $0x1  }
0xac: {  	s6 =	simm.s32 @p0 $0x1B8D  }
0xad: {  	_ =	swait.eq @p0 [sflag:s6], $0x1  }
0xae: {  	[sflag:s6] =	ssyncadd.s32 @p0 $0xFFFFFFFF  }
0xaf: {  	s7 =	sshll.u32 @!p0 s1, $0xE  }
0xb0: {  	s7 =	sor.u32 @!p0 $0x4000, s7;
	s6 =	simm.s32 @!p0 $0x1B8D  }
0xb1: {  	s5 =	sshll.u32 @!p0 s5, $0x11;
	s7 =	sadd.s32 @!p0 $0x11B8D, s7;
	_ =	swait.eq @!p0 [sflag:s6], $0x1  }
0xb2: {  	s5 =	sor.u32 @!p0 s5, s7;
	[sflag:s6] =	ssyncadd.s32 @!p0 $0xFFFFFFFF  }
0xb3: {  	s25 =	simm.s32 $0x1B8E;
	s24 =	sld [smem:$0x3FFE];
	[sflag:s5] =	ssyncadd.remote.s32 @!p0 $0x1  }
0xb4: {  	s26 =	simm.s32 $execute0_lowered;
	[smem:$0x3FD2] =	sst s25  }
0xb5: {  	s6 =	sshll.u32 s26, $0x1;
	_ =	strace $0x80000049;
	[dreg:$0x1] =	wrdreg $0xFFFFFFFF  }
0xb6: {  	s28 =	simm.s32 $_size_execute0_lowered;
	s4 =	sadd.s32 s4, s6;
	[dreg:$0x0] =	wrdreg $0x0  }
0xb7: {  	s6 =	sshll.u32 s28, $0x1;
	[dreg:$0x2] =	wrdreg s4  }
0xb8: {  	[dreg:$0x3] =	wrdreg s6  }
0xb9: {  	[dreg:$0x4] =	wrdreg $0xC0  }
0xba: {  	_ =	task [dreg:s22], $0x5FFFF  }
0xbb: {  	[dreg:$0x1] =	wrdreg $0xFFFFFFFF  }
0xbc: {  	[dreg:$0x0] =	wrdreg $0x60  }
0xbd: {  	[dreg:$0x2] =	wrdreg s18  }
0xbe: {  	[dreg:$0x3] =	wrdreg s24  }
0xbf: {  	[dreg:$0x4] =	wrdreg $0xA  }
0xc0: {  	_ =	task.clear_ibuf [dreg:s22], $0x5FFFF;
	_ =	strace $0x90000049  }
0xc1: {  	s29 =	simm.s32 $0xA;
	_ =	strace $0x8000004B  }
0xc2: {  	_ =	swait.ge [sflag:s29], $0x1  }
0xc3: {  	[sflag:s29] =	ssyncadd.s32 $0xFFFFFFFF  }
0xc4: {  	_ =	strace $0x9000004B  }
0xc5: {  	_ =	sfence  }
0xc6: {  	s30 =	sld [smem:$0x0];
	_ =	sdelay $0x2  }
0xc7: {  	s31 =	sshll.u32 s1, $0xD;
	s1 =	sshrl.u32 s1, $0x2  }
0xc8: {  	s4 =	sand.u32 $0x4000, s31;
	s1 =	sadd.s32 s1, s30  }
0xc9: {  	s0 =	sor.u32 s4, s0;
	s1 =	sshll.u32 s1, $0x11  }
0xca: {  	s0 =	sor.u32 s1, s0  }
0xcb: {  	s0 =	sadd.s32 $0x8F2B, s0  }
0xcc: {  	[sflag:s0] =	ssyncadd.remote.s32 $0x1  }
0xcd: {  	_ =	sfence.sel $0xFFFF  }
0xce: {  	[dreg:$0x0] =	wrdreg $0xFFFFFFFF;
	(pc) =	sbr.abs _section_cstart, $3  }
0xcf: {  	[dreg:$0x1] =	wrdreg $0xFFFFFFFF  }
0xd0: {  	_ =	task.clear_ibuf [dreg:s22], $0x2FFFF;
	_ =	strace $0x9FFFFFFF  }
0xd1: {  	(tm) =	ssettm $0x7FFFFFFF  }
tec
execute0_lowered:
.L_overlay_start_1:
0x0: {  	(tag) =	ssettag $0x1  }
0x1: {  	s0 =	srdreg.scid  }
0x2: {  	s1 =	stileid.u32;
	s2 =	rddreg [dreg:$0x0]  }
0x3: {  	s4 =	rddreg [dreg:$0x1];
	s3 =	simm.s32 $0x0;
	s28 =	simm.s32 $0x3  }
0x4: {  	s29 =	simm.s32 $0x6;
	s30 =	simm.s32 $0x100;
	s14 =	simm.s32 $0x2100  }
0x5: {  	s15 =	simm.s32 $0x2900;
	s16 =	simm.s32 $0x3100;
	s17 =	simm.s32 $0x3900  }
0x6: {  	s18 =	simm.s32 $0x4100;
	s0 =	sand.u32 $0x1, s0;
	s1 =	sshll.u32 s1, $0x1  }
0x7: {  	s19 =	simm.s32 $0x4900;
	s13 =	simm.s32 $0x6100;
	s1 =	sor.u32 s0, s1  }
0x8: {  	[smem:$0x7FF] =	sst s3;
	s8 =	sadd.s32 $0x500, s2;
	s5 =	smul.u32 $0x12, s1  }
0x9: {  	s9 =	sadd.s32 $0x600, s2;
	s10 =	sadd.s32 $0x700, s2;
	s6 =	smul.u32 $0x48000, s1  }
0xa: {  	_ =	strace $0x8000004A;
	s1 =	smul.u32 $0x9000, s1;
	s5 =	sadd.s32 s5, s4  }
0xb: {  	s4 =	sadd.s32 $0xE1600, s4;
	s6 =	sshrl.u32 s6, $0x3;
	s5 =	sadd.s32 $0xE1200, s5  }
0xc: {  	s1 =	sadd.s32 s4, s1;
	s11 =	sadd.s32 s4, s6;
	[dreg:$0x3] =	wrdreg s5  }
0xd: {  	s0 =	ssub.s32 $0x2, s0;
	[dreg:$0x4] =	wrdreg s1;
	s20 =	sadd.s32 $0x1000, s11  }
0xe: {  	s7 =	sshrl.u32 s0, $0x1;
	s21 =	sadd.s32 $0x2000, s11;
	[dreg:$0x5] =	wrdreg s20  }
0xf: {  	s0 =	ssub.s32 s0, s7;
	s22 =	sadd.s32 $0x3000, s11;
	[dreg:$0x6] =	wrdreg s21  }
0x10: {  	s7 =	sadd.s32 $0x400, s2;
	s23 =	sadd.s32 $0x4000, s11;
	[dreg:$0x7] =	wrdreg s22  }
0x11: {  	s4 =	sadd.s32 $0x100, s2;
	s24 =	sadd.s32 $0x5000, s11;
	[dreg:$0x8] =	wrdreg s23  }
0x12: {  	s6 =	sadd.s32 $0x300, s2;
	s25 =	sadd.s32 $0x6000, s11;
	[dreg:$0x9] =	wrdreg s24  }
0x13: {  	s5 =	sadd.s32 $0x200, s2;
	s26 =	sadd.s32 $0x7000, s11;
	[dreg:$0xa] =	wrdreg s25  }
0x14: {  	s31 =	sadd.s32 $0x8000, s11;
	s11 =	smax.u32 s0, $0x1;
	[dreg:$0xb] =	wrdreg s26  }
0x15: {  	v2 =	vlaneseq.u32;
	s1 =	simm.s32 $0x8100;
	[dreg:$0xc] =	wrdreg s31;
	s22 =	simm.s32 $0x1  }
0x16: {  	vm0 =	vmmov $0xffff;
	v1 =	vshrl.u32 v2, $0x3;
	s23 =	simm.s32 $0x4;
	s24 =	simm.s32 $0x2;
	s26 =	simm.s32 $0x5  }
0x17: {  	v0 =	vand.u32 $0x7, v2;
	v2 =	vor.u32 $0x8, v2;
	v1 =	vmul.u32 $0x8, v1;
	s20 =	simm.s32 $0x5100;
	s21 =	simm.s32 $0x5900;
	s25 =	simm.s32 $0x6900  }
.LBB2_1:
0x18: {  	s31 =	rddreg [dreg:$0x3];
	s0 =	simm.s32 $0x7  }
0x19: {  	[tilespmem:s3], [sflag:$0x7] =	stream.linear.gather [hbm4b:s31+s3], $0x90, $0x38;
	[tilespmem:$0x18100] =	vst v63  }
0x1a: {  	_ =	swait.ge [sflag:s0], $0x90  }
0x1b: {  	[sflag:s0] =	ssyncset.done $0x0  }
0x1c: {  	[sflag:s0] =	ssyncadd.s32 $0xFFFFFF70  }
0x1d: {  	v3 =	vld [tilespmem:$0x0];
	_ =	sdelay $0x4  }
0x1e: {  	v4 =	vshll.u32 v3, $0x4  }
0x1f: {  	v3 =	vand.u32 $0x7, v3;
	v4 =	vand.u32 $0xFFFFFF80, v4  }
0x20: {  	v3 =	vor.u32 v3, v4  }
0x21: {  	v4 =	vperm.xlane v3, v0;
	_ =	sdelay $0x1  }
0x22: {  	v4 =	vadd.s32 v1, v4;
	_ =	sdelay $0x4  }
0x23: {  	[tilespmem:s30], [sflag:$0x1] =	stream.indirect_vreg.gather [hbm4b:s2+s3], $0x80, v4, vm0, $0xb8;
	[tilespmem:$0x18100] =	vst v63  }
0x24: {  	s0 =	simm.s32 $0x900  }
0x25: {  	[tilespmem:s0], [sflag:$0x1] =	stream.indirect_vreg.gather [hbm4b:s4+s3], $0x80, v4, vm0, $0xb8;
	[tilespmem:$0x18100] =	vst v63  }
0x26: {  	s12 =	simm.s32 $0x1100  }
0x27: {  	[tilespmem:s12], [sflag:$0x1] =	stream.indirect_vreg.gather [hbm4b:s5+s3], $0x80, v4, vm0, $0xb8;
	[tilespmem:$0x18100] =	vst v63  }
0x28: {  	s12 =	simm.s32 $0x1900  }
0x29: {  	[tilespmem:s12], [sflag:$0x1] =	stream.indirect_vreg.gather [hbm4b:s6+s3], $0x80, v4, vm0, $0xb8;
	[tilespmem:$0x18100] =	vst v63  }
0x2a: {  	_ = 	snop  }
0x2b: {  	[tilespmem:s14], [sflag:$0x1] =	stream.indirect_vreg.gather [hbm4b:s7+s3], $0x80, v4, vm0, $0xb8;
	[tilespmem:$0x18100] =	vst v63  }
0x2c: {  	v3 =	vperm.xlane v3, v2  }
0x2d: {  	[tilespmem:s15], [sflag:$0x1] =	stream.indirect_vreg.gather [hbm4b:s8+s3], $0x80, v4, vm0, $0xb8;
	[tilespmem:$0x18100] =	vst v63  }
0x2e: {  	v3 =	vadd.s32 v1, v3  }
0x2f: {  	[tilespmem:s16], [sflag:$0x1] =	stream.indirect_vreg.gather [hbm4b:s9+s3], $0x80, v4, vm0, $0xb8;
	[tilespmem:$0x18100] =	vst v63  }
0x30: {  	_ = 	snop  }
0x31: {  	[tilespmem:s17], [sflag:$0x1] =	stream.indirect_vreg.gather [hbm4b:s10+s3], $0x80, v4, vm0, $0xb8;
	[tilespmem:$0x18100] =	vst v63  }
0x32: {  	_ = 	snop  }
0x33: {  	[tilespmem:s18], [sflag:$0x1] =	stream.indirect_vreg.gather [hbm4b:s2+s3], $0x80, v3, vm0, $0xb8;
	[tilespmem:$0x18100] =	vst v63  }
0x34: {  	_ = 	snop  }
0x35: {  	[tilespmem:s19], [sflag:$0x1] =	stream.indirect_vreg.gather [hbm4b:s4+s3], $0x80, v3, vm0, $0xb8;
	[tilespmem:$0x18100] =	vst v63  }
0x36: {  	_ = 	snop  }
0x37: {  	[tilespmem:s20], [sflag:$0x1] =	stream.indirect_vreg.gather [hbm4b:s5+s3], $0x80, v3, vm0, $0xb8;
	[tilespmem:$0x18100] =	vst v63  }
0x38: {  	_ = 	snop  }
0x39: {  	[tilespmem:s21], [sflag:$0x1] =	stream.indirect_vreg.gather [hbm4b:s6+s3], $0x80, v3, vm0, $0xb8;
	[tilespmem:$0x18100] =	vst v63  }
0x3a: {  	_ = 	snop  }
0x3b: {  	[tilespmem:s13], [sflag:$0x1] =	stream.indirect_vreg.gather [hbm4b:s7+s3], $0x80, v3, vm0, $0xb8;
	[tilespmem:$0x18100] =	vst v63  }
0x3c: {  	_ = 	snop  }
0x3d: {  	[tilespmem:s25], [sflag:$0x1] =	stream.indirect_vreg.gather [hbm4b:s8+s3], $0x80, v3, vm0, $0xb8;
	[tilespmem:$0x18100] =	vst v63  }
0x3e: {  	s31 =	simm.s32 $0x7100  }
0x3f: {  	[tilespmem:s31], [sflag:$0x1] =	stream.indirect_vreg.gather [hbm4b:s9+s3], $0x80, v3, vm0, $0xb8;
	[tilespmem:$0x18100] =	vst v63  }
0x40: {  	s31 =	simm.s32 $0x7900  }
0x41: {  	[tilespmem:s31], [sflag:$0x1] =	stream.indirect_vreg.gather [hbm4b:s10+s3], $0x80, v3, vm0, $0xb8;
	[tilespmem:$0x18100] =	vst v63  }
0x42: {  	v3 =	vld [tilespmem:$0x10];
	_ =	sdelay $0x4  }
0x43: {  	v56 =	vshll.u32 v3, $0x4  }
0x44: {  	v3 =	vand.u32 $0x7, v3;
	v4 =	vand.u32 $0xFFFFFF80, v56  }
0x45: {  	v3 =	vor.u32 v3, v4  }
0x46: {  	v4 =	vperm.xlane v3, v0;
	_ =	sdelay $0x1  }
0x47: {  	v4 =	vadd.s32 v1, v4;
	_ =	sdelay $0x4  }
0x48: {  	[tilespmem:s1], [sflag:$0x2] =	stream.indirect_vreg.gather [hbm4b:s2+s3], $0x80, v4, vm0, $0xb8;
	[tilespmem:$0x18100] =	vst v63  }
0x49: {  	s31 =	simm.s32 $0x8900  }
0x4a: {  	[tilespmem:s31], [sflag:$0x2] =	stream.indirect_vreg.gather [hbm4b:s4+s3], $0x80, v4, vm0, $0xb8;
	[tilespmem:$0x18100] =	vst v63  }
0x4b: {  	s31 =	simm.s32 $0x9100  }
0x4c: {  	[tilespmem:s31], [sflag:$0x2] =	stream.indirect_vreg.gather [hbm4b:s5+s3], $0x80, v4, vm0, $0xb8;
	[tilespmem:$0x18100] =	vst v63  }
0x4d: {  	s31 =	simm.s32 $0x9900  }
0x4e: {  	[tilespmem:s31], [sflag:$0x2] =	stream.indirect_vreg.gather [hbm4b:s6+s3], $0x80, v4, vm0, $0xb8;
	[tilespmem:$0x18100] =	vst v63  }
0x4f: {  	s31 =	simm.s32 $0xA100  }
0x50: {  	[tilespmem:s31], [sflag:$0x2] =	stream.indirect_vreg.gather [hbm4b:s7+s3], $0x80, v4, vm0, $0xb8;
	[tilespmem:$0x18100] =	vst v63  }
0x51: {  	v3 =	vperm.xlane v3, v2;
	s31 =	simm.s32 $0xA900  }
0x52: {  	[tilespmem:s31], [sflag:$0x2] =	stream.indirect_vreg.gather [hbm4b:s8+s3], $0x80, v4, vm0, $0xb8;
	[tilespmem:$0x18100] =	vst v63  }
0x53: {  	v3 =	vadd.s32 v1, v3;
	s31 =	simm.s32 $0xB100  }
0x54: {  	[tilespmem:s31], [sflag:$0x2] =	stream.indirect_vreg.gather [hbm4b:s9+s3], $0x80, v4, vm0, $0xb8;
	[tilespmem:$0x18100] =	vst v63  }
0x55: {  	s31 =	simm.s32 $0xB900  }
0x56: {  	[tilespmem:s31], [sflag:$0x2] =	stream.indirect_vreg.gather [hbm4b:s10+s3], $0x80, v4, vm0, $0xb8;
	[tilespmem:$0x18100] =	vst v63  }
0x57: {  	s31 =	simm.s32 $0xC100  }
0x58: {  	[tilespmem:s31], [sflag:$0x2] =	stream.indirect_vreg.gather [hbm4b:s2+s3], $0x80, v3, vm0, $0xb8;
	[tilespmem:$0x18100] =	vst v63  }
0x59: {  	s31 =	simm.s32 $0xC900  }
0x5a: {  	[tilespmem:s31], [sflag:$0x2] =	stream.indirect_vreg.gather [hbm4b:s4+s3], $0x80, v3, vm0, $0xb8;
	[tilespmem:$0x18100] =	vst v63  }
0x5b: {  	s31 =	simm.s32 $0xD100  }
0x5c: {  	[tilespmem:s31], [sflag:$0x2] =	stream.indirect_vreg.gather [hbm4b:s5+s3], $0x80, v3, vm0, $0xb8;
	[tilespmem:$0x18100] =	vst v63  }
0x5d: {  	s31 =	simm.s32 $0xD900  }
0x5e: {  	[tilespmem:s31], [sflag:$0x2] =	stream.indirect_vreg.gather [hbm4b:s6+s3], $0x80, v3, vm0, $0xb8;
	[tilespmem:$0x18100] =	vst v63  }
0x5f: {  	s31 =	simm.s32 $0xE100  }
0x60: {  	[tilespmem:s31], [sflag:$0x2] =	stream.indirect_vreg.gather [hbm4b:s7+s3], $0x80, v3, vm0, $0xb8;
	[tilespmem:$0x18100] =	vst v63  }
0x61: {  	s31 =	simm.s32 $0xE900  }
0x62: {  	[tilespmem:s31], [sflag:$0x2] =	stream.indirect_vreg.gather [hbm4b:s8+s3], $0x80, v3, vm0, $0xb8;
	[tilespmem:$0x18100] =	vst v63  }
0x63: {  	s31 =	simm.s32 $0xF100  }
0x64: {  	[tilespmem:s31], [sflag:$0x2] =	stream.indirect_vreg.gather [hbm4b:s9+s3], $0x80, v3, vm0, $0xb8;
	[tilespmem:$0x18100] =	vst v63  }
0x65: {  	s31 =	simm.s32 $0xF900  }
0x66: {  	[tilespmem:s31], [sflag:$0x2] =	stream.indirect_vreg.gather [hbm4b:s10+s3], $0x80, v3, vm0, $0xb8;
	[tilespmem:$0x18100] =	vst v63  }
0x67: {  	v3 =	vld [tilespmem:$0x20];
	_ =	sdelay $0x4  }
0x68: {  	v57 =	vshll.u32 v3, $0x4  }
0x69: {  	v3 =	vand.u32 $0x7, v3;
	v4 =	vand.u32 $0xFFFFFF80, v57  }
0x6a: {  	v3 =	vor.u32 v3, v4  }
0x6b: {  	v4 =	vperm.xlane v3, v0;
	_ =	sdelay $0x1  }
0x6c: {  	v4 =	vadd.s32 v1, v4;
	_ =	sdelay $0x3  }
0x6d: {  	s0 =	simm.s32 $0x10100  }
0x6e: {  	[tilespmem:s0], [sflag:$0x3] =	stream.indirect_vreg.gather [hbm4b:s2+s3], $0x80, v4, vm0, $0xb8;
	[tilespmem:$0x18100] =	vst v63  }
0x6f: {  	s31 =	simm.s32 $0x10900  }
0x70: {  	[tilespmem:s31], [sflag:$0x3] =	stream.indirect_vreg.gather [hbm4b:s4+s3], $0x80, v4, vm0, $0xb8;
	[tilespmem:$0x18100] =	vst v63  }
0x71: {  	s31 =	simm.s32 $0x11100  }
0x72: {  	[tilespmem:s31], [sflag:$0x3] =	stream.indirect_vreg.gather [hbm4b:s5+s3], $0x80, v4, vm0, $0xb8;
	[tilespmem:$0x18100] =	vst v63  }
0x73: {  	s31 =	simm.s32 $0x11900  }
0x74: {  	[tilespmem:s31], [sflag:$0x3] =	stream.indirect_vreg.gather [hbm4b:s6+s3], $0x80, v4, vm0, $0xb8;
	[tilespmem:$0x18100] =	vst v63  }
0x75: {  	s31 =	simm.s32 $0x12100  }
0x76: {  	[tilespmem:s31], [sflag:$0x3] =	stream.indirect_vreg.gather [hbm4b:s7+s3], $0x80, v4, vm0, $0xb8;
	[tilespmem:$0x18100] =	vst v63  }
0x77: {  	v3 =	vperm.xlane v3, v2;
	s31 =	simm.s32 $0x12900  }
0x78: {  	[tilespmem:s31], [sflag:$0x3] =	stream.indirect_vreg.gather [hbm4b:s8+s3], $0x80, v4, vm0, $0xb8;
	[tilespmem:$0x18100] =	vst v63  }
0x79: {  	v3 =	vadd.s32 v1, v3;
	s31 =	simm.s32 $0x13100  }
0x7a: {  	[tilespmem:s31], [sflag:$0x3] =	stream.indirect_vreg.gather [hbm4b:s9+s3], $0x80, v4, vm0, $0xb8;
	[tilespmem:$0x18100] =	vst v63  }
0x7b: {  	s31 =	simm.s32 $0x13900  }
0x7c: {  	[tilespmem:s31], [sflag:$0x3] =	stream.indirect_vreg.gather [hbm4b:s10+s3], $0x80, v4, vm0, $0xb8;
	[tilespmem:$0x18100] =	vst v63  }
0x7d: {  	s31 =	simm.s32 $0x14100  }
0x7e: {  	[tilespmem:s31], [sflag:$0x3] =	stream.indirect_vreg.gather [hbm4b:s2+s3], $0x80, v3, vm0, $0xb8;
	[tilespmem:$0x18100] =	vst v63  }
0x7f: {  	s31 =	simm.s32 $0x14900  }
0x80: {  	[tilespmem:s31], [sflag:$0x3] =	stream.indirect_vreg.gather [hbm4b:s4+s3], $0x80, v3, vm0, $0xb8;
	[tilespmem:$0x18100] =	vst v63  }
0x81: {  	s31 =	simm.s32 $0x15100  }
0x82: {  	[tilespmem:s31], [sflag:$0x3] =	stream.indirect_vreg.gather [hbm4b:s5+s3], $0x80, v3, vm0, $0xb8;
	[tilespmem:$0x18100] =	vst v63  }
0x83: {  	s31 =	simm.s32 $0x15900  }
0x84: {  	[tilespmem:s31], [sflag:$0x3] =	stream.indirect_vreg.gather [hbm4b:s6+s3], $0x80, v3, vm0, $0xb8;
	[tilespmem:$0x18100] =	vst v63  }
0x85: {  	s31 =	simm.s32 $0x16100  }
0x86: {  	[tilespmem:s31], [sflag:$0x3] =	stream.indirect_vreg.gather [hbm4b:s7+s3], $0x80, v3, vm0, $0xb8;
	[tilespmem:$0x18100] =	vst v63  }
0x87: {  	s31 =	simm.s32 $0x16900  }
0x88: {  	[tilespmem:s31], [sflag:$0x3] =	stream.indirect_vreg.gather [hbm4b:s8+s3], $0x80, v3, vm0, $0xb8;
	[tilespmem:$0x18100] =	vst v63  }
0x89: {  	s31 =	simm.s32 $0x17100  }
0x8a: {  	[tilespmem:s31], [sflag:$0x3] =	stream.indirect_vreg.gather [hbm4b:s9+s3], $0x80, v3, vm0, $0xb8;
	[tilespmem:$0x18100] =	vst v63  }
0x8b: {  	s31 =	simm.s32 $0x17900  }
0x8c: {  	[tilespmem:s31], [sflag:$0x3] =	stream.indirect_vreg.gather [hbm4b:s10+s3], $0x80, v3, vm0, $0xb8;
	[tilespmem:$0x18100] =	vst v63  }
0x8d: {  	_ =	swait.ge [sflag:s22], $0x8000  }
0x8e: {  	[sflag:s22] =	ssyncset.done $0x0  }
0x8f: {  	s31 =	rddreg [dreg:$0x4];
	[sflag:s22] =	ssyncadd.s32 $0xFFFF8000  }
0x90: {  	[hbm4b:s31+s3] =	stream.linear.scatter [tilespmem:s30], [sflag:$0x4], $0x8000, $0x38;
	[tilespmem:$0x18100] =	vst v63  }
0x91: {  	_ =	swait.ge [sflag:s23], $0x8000  }
0x92: {  	[sflag:s23] =	ssyncset.done $0x0  }
0x93: {  	[sflag:s23] =	ssyncadd.s32 $0xFFFF8000  }
0x94: {  	v3 =	vld [tilespmem:$0x30];
	_ =	sdelay $0x4  }
0x95: {  	v58 =	vshll.u32 v3, $0x4  }
0x96: {  	v3 =	vand.u32 $0x7, v3;
	v4 =	vand.u32 $0xFFFFFF80, v58  }
0x97: {  	v3 =	vor.u32 v3, v4  }
0x98: {  	v4 =	vperm.xlane v3, v0;
	_ =	sdelay $0x1  }
0x99: {  	v4 =	vadd.s32 v1, v4;
	_ =	sdelay $0x4  }
0x9a: {  	[tilespmem:s30], [sflag:$0x1] =	stream.indirect_vreg.gather [hbm4b:s2+s3], $0x80, v4, vm0, $0xb8;
	[tilespmem:$0x18100] =	vst v63  }
0x9b: {  	s31 =	simm.s32 $0x900  }
0x9c: {  	[tilespmem:s31], [sflag:$0x1] =	stream.indirect_vreg.gather [hbm4b:s4+s3], $0x80, v4, vm0, $0xb8;
	[tilespmem:$0x18100] =	vst v63  }
0x9d: {  	s31 =	simm.s32 $0x1100  }
0x9e: {  	[tilespmem:s31], [sflag:$0x1] =	stream.indirect_vreg.gather [hbm4b:s5+s3], $0x80, v4, vm0, $0xb8;
	[tilespmem:$0x18100] =	vst v63  }
0x9f: {  	_ = 	snop  }
0xa0: {  	[tilespmem:s12], [sflag:$0x1] =	stream.indirect_vreg.gather [hbm4b:s6+s3], $0x80, v4, vm0, $0xb8;
	[tilespmem:$0x18100] =	vst v63  }
0xa1: {  	_ = 	snop  }
0xa2: {  	[tilespmem:s14], [sflag:$0x1] =	stream.indirect_vreg.gather [hbm4b:s7+s3], $0x80, v4, vm0, $0xb8;
	[tilespmem:$0x18100] =	vst v63  }
0xa3: {  	v3 =	vperm.xlane v3, v2  }
0xa4: {  	[tilespmem:s15], [sflag:$0x1] =	stream.indirect_vreg.gather [hbm4b:s8+s3], $0x80, v4, vm0, $0xb8;
	[tilespmem:$0x18100] =	vst v63  }
0xa5: {  	v3 =	vadd.s32 v1, v3  }
0xa6: {  	[tilespmem:s16], [sflag:$0x1] =	stream.indirect_vreg.gather [hbm4b:s9+s3], $0x80, v4, vm0, $0xb8;
	[tilespmem:$0x18100] =	vst v63  }
0xa7: {  	_ = 	snop  }
0xa8: {  	[tilespmem:s17], [sflag:$0x1] =	stream.indirect_vreg.gather [hbm4b:s10+s3], $0x80, v4, vm0, $0xb8;
	[tilespmem:$0x18100] =	vst v63  }
0xa9: {  	_ = 	snop  }
0xaa: {  	[tilespmem:s18], [sflag:$0x1] =	stream.indirect_vreg.gather [hbm4b:s2+s3], $0x80, v3, vm0, $0xb8;
	[tilespmem:$0x18100] =	vst v63  }
0xab: {  	_ = 	snop  }
0xac: {  	[tilespmem:s19], [sflag:$0x1] =	stream.indirect_vreg.gather [hbm4b:s4+s3], $0x80, v3, vm0, $0xb8;
	[tilespmem:$0x18100] =	vst v63  }
0xad: {  	_ = 	snop  }
0xae: {  	[tilespmem:s20], [sflag:$0x1] =	stream.indirect_vreg.gather [hbm4b:s5+s3], $0x80, v3, vm0, $0xb8;
	[tilespmem:$0x18100] =	vst v63  }
0xaf: {  	_ = 	snop  }
0xb0: {  	[tilespmem:s21], [sflag:$0x1] =	stream.indirect_vreg.gather [hbm4b:s6+s3], $0x80, v3, vm0, $0xb8;
	[tilespmem:$0x18100] =	vst v63  }
0xb1: {  	_ = 	snop  }
0xb2: {  	[tilespmem:s13], [sflag:$0x1] =	stream.indirect_vreg.gather [hbm4b:s7+s3], $0x80, v3, vm0, $0xb8;
	[tilespmem:$0x18100] =	vst v63  }
0xb3: {  	_ = 	snop  }
0xb4: {  	[tilespmem:s25], [sflag:$0x1] =	stream.indirect_vreg.gather [hbm4b:s8+s3], $0x80, v3, vm0, $0xb8;
	[tilespmem:$0x18100] =	vst v63  }
0xb5: {  	s31 =	simm.s32 $0x7100  }
0xb6: {  	[tilespmem:s31], [sflag:$0x1] =	stream.indirect_vreg.gather [hbm4b:s9+s3], $0x80, v3, vm0, $0xb8;
	[tilespmem:$0x18100] =	vst v63  }
0xb7: {  	s31 =	simm.s32 $0x7900  }
0xb8: {  	[tilespmem:s31], [sflag:$0x1] =	stream.indirect_vreg.gather [hbm4b:s10+s3], $0x80, v3, vm0, $0xb8;
	[tilespmem:$0x18100] =	vst v63  }
0xb9: {  	_ =	swait.ge [sflag:s24], $0x8000  }
0xba: {  	[sflag:s24] =	ssyncset.done $0x0  }
0xbb: {  	s31 =	rddreg [dreg:$0x5];
	[sflag:s24] =	ssyncadd.s32 $0xFFFF8000  }
0xbc: {  	[hbm4b:s31+s3] =	stream.linear.scatter [tilespmem:s1], [sflag:$0x5], $0x8000, $0x38;
	[tilespmem:$0x18100] =	vst v63  }
0xbd: {  	_ =	swait.ge [sflag:s26], $0x8000  }
0xbe: {  	[sflag:s26] =	ssyncset.done $0x0  }
0xbf: {  	[sflag:s26] =	ssyncadd.s32 $0xFFFF8000  }
0xc0: {  	v3 =	vld [tilespmem:$0x40];
	_ =	sdelay $0x4  }
0xc1: {  	v59 =	vshll.u32 v3, $0x4  }
0xc2: {  	v3 =	vand.u32 $0x7, v3;
	v4 =	vand.u32 $0xFFFFFF80, v59  }
0xc3: {  	v3 =	vor.u32 v3, v4  }
0xc4: {  	v4 =	vperm.xlane v3, v0;
	_ =	sdelay $0x1  }
0xc5: {  	v4 =	vadd.s32 v1, v4;
	_ =	sdelay $0x4  }
0xc6: {  	[tilespmem:s1], [sflag:$0x2] =	stream.indirect_vreg.gather [hbm4b:s2+s3], $0x80, v4, vm0, $0xb8;
	[tilespmem:$0x18100] =	vst v63  }
0xc7: {  	s31 =	simm.s32 $0x8900  }
0xc8: {  	[tilespmem:s31], [sflag:$0x2] =	stream.indirect_vreg.gather [hbm4b:s4+s3], $0x80, v4, vm0, $0xb8;
	[tilespmem:$0x18100] =	vst v63  }
0xc9: {  	s31 =	simm.s32 $0x9100  }
0xca: {  	[tilespmem:s31], [sflag:$0x2] =	stream.indirect_vreg.gather [hbm4b:s5+s3], $0x80, v4, vm0, $0xb8;
	[tilespmem:$0x18100] =	vst v63  }
0xcb: {  	s31 =	simm.s32 $0x9900  }
0xcc: {  	[tilespmem:s31], [sflag:$0x2] =	stream.indirect_vreg.gather [hbm4b:s6+s3], $0x80, v4, vm0, $0xb8;
	[tilespmem:$0x18100] =	vst v63  }
0xcd: {  	s31 =	simm.s32 $0xA100  }
0xce: {  	[tilespmem:s31], [sflag:$0x2] =	stream.indirect_vreg.gather [hbm4b:s7+s3], $0x80, v4, vm0, $0xb8;
	[tilespmem:$0x18100] =	vst v63  }
0xcf: {  	v3 =	vperm.xlane v3, v2;
	s31 =	simm.s32 $0xA900  }
0xd0: {  	[tilespmem:s31], [sflag:$0x2] =	stream.indirect_vreg.gather [hbm4b:s8+s3], $0x80, v4, vm0, $0xb8;
	[tilespmem:$0x18100] =	vst v63  }
0xd1: {  	v3 =	vadd.s32 v1, v3;
	s31 =	simm.s32 $0xB100  }
0xd2: {  	[tilespmem:s31], [sflag:$0x2] =	stream.indirect_vreg.gather [hbm4b:s9+s3], $0x80, v4, vm0, $0xb8;
	[tilespmem:$0x18100] =	vst v63  }
0xd3: {  	s31 =	simm.s32 $0xB900  }
0xd4: {  	[tilespmem:s31], [sflag:$0x2] =	stream.indirect_vreg.gather [hbm4b:s10+s3], $0x80, v4, vm0, $0xb8;
	[tilespmem:$0x18100] =	vst v63  }
0xd5: {  	s31 =	simm.s32 $0xC100  }
0xd6: {  	[tilespmem:s31], [sflag:$0x2] =	stream.indirect_vreg.gather [hbm4b:s2+s3], $0x80, v3, vm0, $0xb8;
	[tilespmem:$0x18100] =	vst v63  }
0xd7: {  	s31 =	simm.s32 $0xC900  }
0xd8: {  	[tilespmem:s31], [sflag:$0x2] =	stream.indirect_vreg.gather [hbm4b:s4+s3], $0x80, v3, vm0, $0xb8;
	[tilespmem:$0x18100] =	vst v63  }
0xd9: {  	s31 =	simm.s32 $0xD100  }
0xda: {  	[tilespmem:s31], [sflag:$0x2] =	stream.indirect_vreg.gather [hbm4b:s5+s3], $0x80, v3, vm0, $0xb8;
	[tilespmem:$0x18100] =	vst v63  }
0xdb: {  	s31 =	simm.s32 $0xD900  }
0xdc: {  	[tilespmem:s31], [sflag:$0x2] =	stream.indirect_vreg.gather [hbm4b:s6+s3], $0x80, v3, vm0, $0xb8;
	[tilespmem:$0x18100] =	vst v63  }
0xdd: {  	s31 =	simm.s32 $0xE100  }
0xde: {  	[tilespmem:s31], [sflag:$0x2] =	stream.indirect_vreg.gather [hbm4b:s7+s3], $0x80, v3, vm0, $0xb8;
	[tilespmem:$0x18100] =	vst v63  }
0xdf: {  	s31 =	simm.s32 $0xE900  }
0xe0: {  	[tilespmem:s31], [sflag:$0x2] =	stream.indirect_vreg.gather [hbm4b:s8+s3], $0x80, v3, vm0, $0xb8;
	[tilespmem:$0x18100] =	vst v63  }
0xe1: {  	s31 =	simm.s32 $0xF100  }
0xe2: {  	[tilespmem:s31], [sflag:$0x2] =	stream.indirect_vreg.gather [hbm4b:s9+s3], $0x80, v3, vm0, $0xb8;
	[tilespmem:$0x18100] =	vst v63  }
0xe3: {  	s31 =	simm.s32 $0xF900  }
0xe4: {  	[tilespmem:s31], [sflag:$0x2] =	stream.indirect_vreg.gather [hbm4b:s10+s3], $0x80, v3, vm0, $0xb8;
	[tilespmem:$0x18100] =	vst v63  }
0xe5: {  	_ =	swait.ge [sflag:s28], $0x8000  }
0xe6: {  	[sflag:s28] =	ssyncset.done $0x0  }
0xe7: {  	s31 =	rddreg [dreg:$0x6];
	[sflag:s28] =	ssyncadd.s32 $0xFFFF8000  }
0xe8: {  	[hbm4b:s31+s3] =	stream.linear.scatter [tilespmem:s0], [sflag:$0x6], $0x8000, $0x38;
	[tilespmem:$0x18100] =	vst v63  }
0xe9: {  	_ =	swait.ge [sflag:s29], $0x8000  }
0xea: {  	[sflag:s29] =	ssyncset.done $0x0  }
0xeb: {  	[sflag:s29] =	ssyncadd.s32 $0xFFFF8000  }
0xec: {  	v3 =	vld [tilespmem:$0x50];
	_ =	sdelay $0x4  }
0xed: {  	v60 =	vshll.u32 v3, $0x4  }
0xee: {  	v3 =	vand.u32 $0x7, v3;
	v4 =	vand.u32 $0xFFFFFF80, v60  }
0xef: {  	v3 =	vor.u32 v3, v4  }
0xf0: {  	v4 =	vperm.xlane v3, v0;
	_ =	sdelay $0x1  }
0xf1: {  	v4 =	vadd.s32 v1, v4;
	_ =	sdelay $0x4  }
0xf2: {  	[tilespmem:s0], [sflag:$0x3] =	stream.indirect_vreg.gather [hbm4b:s2+s3], $0x80, v4, vm0, $0xb8;
	[tilespmem:$0x18100] =	vst v63  }
0xf3: {  	s31 =	simm.s32 $0x10900  }
0xf4: {  	[tilespmem:s31], [sflag:$0x3] =	stream.indirect_vreg.gather [hbm4b:s4+s3], $0x80, v4, vm0, $0xb8;
	[tilespmem:$0x18100] =	vst v63  }
0xf5: {  	s31 =	simm.s32 $0x11100  }
0xf6: {  	[tilespmem:s31], [sflag:$0x3] =	stream.indirect_vreg.gather [hbm4b:s5+s3], $0x80, v4, vm0, $0xb8;
	[tilespmem:$0x18100] =	vst v63  }
0xf7: {  	s31 =	simm.s32 $0x11900  }
0xf8: {  	[tilespmem:s31], [sflag:$0x3] =	stream.indirect_vreg.gather [hbm4b:s6+s3], $0x80, v4, vm0, $0xb8;
	[tilespmem:$0x18100] =	vst v63  }
0xf9: {  	s31 =	simm.s32 $0x12100  }
0xfa: {  	[tilespmem:s31], [sflag:$0x3] =	stream.indirect_vreg.gather [hbm4b:s7+s3], $0x80, v4, vm0, $0xb8;
	[tilespmem:$0x18100] =	vst v63  }
0xfb: {  	v3 =	vperm.xlane v3, v2;
	s31 =	simm.s32 $0x12900  }
0xfc: {  	[tilespmem:s31], [sflag:$0x3] =	stream.indirect_vreg.gather [hbm4b:s8+s3], $0x80, v4, vm0, $0xb8;
	[tilespmem:$0x18100] =	vst v63  }
0xfd: {  	v3 =	vadd.s32 v1, v3;
	s31 =	simm.s32 $0x13100  }
0xfe: {  	[tilespmem:s31], [sflag:$0x3] =	stream.indirect_vreg.gather [hbm4b:s9+s3], $0x80, v4, vm0, $0xb8;
	[tilespmem:$0x18100] =	vst v63  }
0xff: {  	s31 =	simm.s32 $0x13900  }
0x100: {  	[tilespmem:s31], [sflag:$0x3] =	stream.indirect_vreg.gather [hbm4b:s10+s3], $0x80, v4, vm0, $0xb8;
	[tilespmem:$0x18100] =	vst v63  }
0x101: {  	s31 =	simm.s32 $0x14100  }
0x102: {  	[tilespmem:s31], [sflag:$0x3] =	stream.indirect_vreg.gather [hbm4b:s2+s3], $0x80, v3, vm0, $0xb8;
	[tilespmem:$0x18100] =	vst v63  }
0x103: {  	s31 =	simm.s32 $0x14900  }
0x104: {  	[tilespmem:s31], [sflag:$0x3] =	stream.indirect_vreg.gather [hbm4b:s4+s3], $0x80, v3, vm0, $0xb8;
	[tilespmem:$0x18100] =	vst v63  }
0x105: {  	s31 =	simm.s32 $0x15100  }
0x106: {  	[tilespmem:s31], [sflag:$0x3] =	stream.indirect_vreg.gather [hbm4b:s5+s3], $0x80, v3, vm0, $0xb8;
	[tilespmem:$0x18100] =	vst v63  }
0x107: {  	s31 =	simm.s32 $0x15900  }
0x108: {  	[tilespmem:s31], [sflag:$0x3] =	stream.indirect_vreg.gather [hbm4b:s6+s3], $0x80, v3, vm0, $0xb8;
	[tilespmem:$0x18100] =	vst v63  }
0x109: {  	s31 =	simm.s32 $0x16100  }
0x10a: {  	[tilespmem:s31], [sflag:$0x3] =	stream.indirect_vreg.gather [hbm4b:s7+s3], $0x80, v3, vm0, $0xb8;
	[tilespmem:$0x18100] =	vst v63  }
0x10b: {  	s31 =	simm.s32 $0x16900  }
0x10c: {  	[tilespmem:s31], [sflag:$0x3] =	stream.indirect_vreg.gather [hbm4b:s8+s3], $0x80, v3, vm0, $0xb8;
	[tilespmem:$0x18100] =	vst v63  }
0x10d: {  	s31 =	simm.s32 $0x17100  }
0x10e: {  	[tilespmem:s31], [sflag:$0x3] =	stream.indirect_vreg.gather [hbm4b:s9+s3], $0x80, v3, vm0, $0xb8;
	[tilespmem:$0x18100] =	vst v63  }
0x10f: {  	s31 =	simm.s32 $0x17900  }
0x110: {  	[tilespmem:s31], [sflag:$0x3] =	stream.indirect_vreg.gather [hbm4b:s10+s3], $0x80, v3, vm0, $0xb8;
	[tilespmem:$0x18100] =	vst v63  }
0x111: {  	_ =	swait.ge [sflag:s22], $0x8000  }
0x112: {  	[sflag:s22] =	ssyncset.done $0x0  }
0x113: {  	s31 =	rddreg [dreg:$0x7];
	[sflag:s22] =	ssyncadd.s32 $0xFFFF8000  }
0x114: {  	[hbm4b:s31+s3] =	stream.linear.scatter [tilespmem:s30], [sflag:$0x4], $0x8000, $0x38;
	[tilespmem:$0x18100] =	vst v63  }
0x115: {  	_ =	swait.ge [sflag:s23], $0x8000  }
0x116: {  	[sflag:s23] =	ssyncset.done $0x0  }
0x117: {  	[sflag:s23] =	ssyncadd.s32 $0xFFFF8000  }
0x118: {  	v3 =	vld [tilespmem:$0x60];
	_ =	sdelay $0x4  }
0x119: {  	v61 =	vshll.u32 v3, $0x4  }
0x11a: {  	v3 =	vand.u32 $0x7, v3;
	v4 =	vand.u32 $0xFFFFFF80, v61  }
0x11b: {  	v3 =	vor.u32 v3, v4  }
0x11c: {  	v4 =	vperm.xlane v3, v0;
	_ =	sdelay $0x1  }
0x11d: {  	v4 =	vadd.s32 v1, v4;
	_ =	sdelay $0x4  }
0x11e: {  	[tilespmem:s30], [sflag:$0x1] =	stream.indirect_vreg.gather [hbm4b:s2+s3], $0x80, v4, vm0, $0xb8;
	[tilespmem:$0x18100] =	vst v63  }
0x11f: {  	s31 =	simm.s32 $0x900  }
0x120: {  	[tilespmem:s31], [sflag:$0x1] =	stream.indirect_vreg.gather [hbm4b:s4+s3], $0x80, v4, vm0, $0xb8;
	[tilespmem:$0x18100] =	vst v63  }
0x121: {  	s31 =	simm.s32 $0x1100  }
0x122: {  	[tilespmem:s31], [sflag:$0x1] =	stream.indirect_vreg.gather [hbm4b:s5+s3], $0x80, v4, vm0, $0xb8;
	[tilespmem:$0x18100] =	vst v63  }
0x123: {  	_ = 	snop  }
0x124: {  	[tilespmem:s12], [sflag:$0x1] =	stream.indirect_vreg.gather [hbm4b:s6+s3], $0x80, v4, vm0, $0xb8;
	[tilespmem:$0x18100] =	vst v63  }
0x125: {  	_ = 	snop  }
0x126: {  	[tilespmem:s14], [sflag:$0x1] =	stream.indirect_vreg.gather [hbm4b:s7+s3], $0x80, v4, vm0, $0xb8;
	[tilespmem:$0x18100] =	vst v63  }
0x127: {  	v3 =	vperm.xlane v3, v2  }
0x128: {  	[tilespmem:s15], [sflag:$0x1] =	stream.indirect_vreg.gather [hbm4b:s8+s3], $0x80, v4, vm0, $0xb8;
	[tilespmem:$0x18100] =	vst v63  }
0x129: {  	v3 =	vadd.s32 v1, v3  }
0x12a: {  	[tilespmem:s16], [sflag:$0x1] =	stream.indirect_vreg.gather [hbm4b:s9+s3], $0x80, v4, vm0, $0xb8;
	[tilespmem:$0x18100] =	vst v63  }
0x12b: {  	_ = 	snop  }
0x12c: {  	[tilespmem:s17], [sflag:$0x1] =	stream.indirect_vreg.gather [hbm4b:s10+s3], $0x80, v4, vm0, $0xb8;
	[tilespmem:$0x18100] =	vst v63  }
0x12d: {  	_ = 	snop  }
0x12e: {  	[tilespmem:s18], [sflag:$0x1] =	stream.indirect_vreg.gather [hbm4b:s2+s3], $0x80, v3, vm0, $0xb8;
	[tilespmem:$0x18100] =	vst v63  }
0x12f: {  	_ = 	snop  }
0x130: {  	[tilespmem:s19], [sflag:$0x1] =	stream.indirect_vreg.gather [hbm4b:s4+s3], $0x80, v3, vm0, $0xb8;
	[tilespmem:$0x18100] =	vst v63  }
0x131: {  	_ = 	snop  }
0x132: {  	[tilespmem:s20], [sflag:$0x1] =	stream.indirect_vreg.gather [hbm4b:s5+s3], $0x80, v3, vm0, $0xb8;
	[tilespmem:$0x18100] =	vst v63  }
0x133: {  	_ = 	snop  }
0x134: {  	[tilespmem:s21], [sflag:$0x1] =	stream.indirect_vreg.gather [hbm4b:s6+s3], $0x80, v3, vm0, $0xb8;
	[tilespmem:$0x18100] =	vst v63  }
0x135: {  	_ = 	snop  }
0x136: {  	[tilespmem:s13], [sflag:$0x1] =	stream.indirect_vreg.gather [hbm4b:s7+s3], $0x80, v3, vm0, $0xb8;
	[tilespmem:$0x18100] =	vst v63  }
0x137: {  	_ = 	snop  }
0x138: {  	[tilespmem:s25], [sflag:$0x1] =	stream.indirect_vreg.gather [hbm4b:s8+s3], $0x80, v3, vm0, $0xb8;
	[tilespmem:$0x18100] =	vst v63  }
0x139: {  	s31 =	simm.s32 $0x7100  }
0x13a: {  	[tilespmem:s31], [sflag:$0x1] =	stream.indirect_vreg.gather [hbm4b:s9+s3], $0x80, v3, vm0, $0xb8;
	[tilespmem:$0x18100] =	vst v63  }
0x13b: {  	s31 =	simm.s32 $0x7900  }
0x13c: {  	[tilespmem:s31], [sflag:$0x1] =	stream.indirect_vreg.gather [hbm4b:s10+s3], $0x80, v3, vm0, $0xb8;
	[tilespmem:$0x18100] =	vst v63  }
0x13d: {  	_ =	swait.ge [sflag:s24], $0x8000  }
0x13e: {  	[sflag:s24] =	ssyncset.done $0x0  }
0x13f: {  	s12 =	rddreg [dreg:$0x8];
	[sflag:s24] =	ssyncadd.s32 $0xFFFF8000  }
0x140: {  	[hbm4b:s12+s3] =	stream.linear.scatter [tilespmem:s1], [sflag:$0x5], $0x8000, $0x38;
	[tilespmem:$0x18100] =	vst v63  }
0x141: {  	_ =	swait.ge [sflag:s26], $0x8000  }
0x142: {  	[sflag:s26] =	ssyncset.done $0x0  }
0x143: {  	[sflag:s26] =	ssyncadd.s32 $0xFFFF8000  }
0x144: {  	v3 =	vld [tilespmem:$0x70];
	_ =	sdelay $0x4  }
0x145: {  	v62 =	vshll.u32 v3, $0x4  }
0x146: {  	v3 =	vand.u32 $0x7, v3;
	v4 =	vand.u32 $0xFFFFFF80, v62  }
0x147: {  	v3 =	vor.u32 v3, v4  }
0x148: {  	v4 =	vperm.xlane v3, v0;
	_ =	sdelay $0x1  }
0x149: {  	v4 =	vadd.s32 v1, v4;
	_ =	sdelay $0x4  }
0x14a: {  	[tilespmem:s1], [sflag:$0x2] =	stream.indirect_vreg.gather [hbm4b:s2+s3], $0x80, v4, vm0, $0xb8;
	[tilespmem:$0x18100] =	vst v63  }
0x14b: {  	s31 =	simm.s32 $0x8900  }
0x14c: {  	[tilespmem:s31], [sflag:$0x2] =	stream.indirect_vreg.gather [hbm4b:s4+s3], $0x80, v4, vm0, $0xb8;
	[tilespmem:$0x18100] =	vst v63  }
0x14d: {  	s31 =	simm.s32 $0x9100  }
0x14e: {  	[tilespmem:s31], [sflag:$0x2] =	stream.indirect_vreg.gather [hbm4b:s5+s3], $0x80, v4, vm0, $0xb8;
	[tilespmem:$0x18100] =	vst v63  }
0x14f: {  	s31 =	simm.s32 $0x9900  }
0x150: {  	[tilespmem:s31], [sflag:$0x2] =	stream.indirect_vreg.gather [hbm4b:s6+s3], $0x80, v4, vm0, $0xb8;
	[tilespmem:$0x18100] =	vst v63  }
0x151: {  	s31 =	simm.s32 $0xA100  }
0x152: {  	[tilespmem:s31], [sflag:$0x2] =	stream.indirect_vreg.gather [hbm4b:s7+s3], $0x80, v4, vm0, $0xb8;
	[tilespmem:$0x18100] =	vst v63  }
0x153: {  	v3 =	vperm.xlane v3, v2;
	s31 =	simm.s32 $0xA900  }
0x154: {  	[tilespmem:s31], [sflag:$0x2] =	stream.indirect_vreg.gather [hbm4b:s8+s3], $0x80, v4, vm0, $0xb8;
	[tilespmem:$0x18100] =	vst v63  }
0x155: {  	v3 =	vadd.s32 v1, v3;
	s31 =	simm.s32 $0xB100  }
0x156: {  	[tilespmem:s31], [sflag:$0x2] =	stream.indirect_vreg.gather [hbm4b:s9+s3], $0x80, v4, vm0, $0xb8;
	[tilespmem:$0x18100] =	vst v63  }
0x157: {  	s31 =	simm.s32 $0xB900  }
0x158: {  	[tilespmem:s31], [sflag:$0x2] =	stream.indirect_vreg.gather [hbm4b:s10+s3], $0x80, v4, vm0, $0xb8;
	[tilespmem:$0x18100] =	vst v63  }
0x159: {  	s31 =	simm.s32 $0xC100  }
0x15a: {  	[tilespmem:s31], [sflag:$0x2] =	stream.indirect_vreg.gather [hbm4b:s2+s3], $0x80, v3, vm0, $0xb8;
	[tilespmem:$0x18100] =	vst v63  }
0x15b: {  	s31 =	simm.s32 $0xC900  }
0x15c: {  	[tilespmem:s31], [sflag:$0x2] =	stream.indirect_vreg.gather [hbm4b:s4+s3], $0x80, v3, vm0, $0xb8;
	[tilespmem:$0x18100] =	vst v63  }
0x15d: {  	s31 =	simm.s32 $0xD100  }
0x15e: {  	[tilespmem:s31], [sflag:$0x2] =	stream.indirect_vreg.gather [hbm4b:s5+s3], $0x80, v3, vm0, $0xb8;
	[tilespmem:$0x18100] =	vst v63  }
0x15f: {  	s31 =	simm.s32 $0xD900  }
0x160: {  	[tilespmem:s31], [sflag:$0x2] =	stream.indirect_vreg.gather [hbm4b:s6+s3], $0x80, v3, vm0, $0xb8;
	[tilespmem:$0x18100] =	vst v63  }
0x161: {  	s31 =	simm.s32 $0xE100  }
0x162: {  	[tilespmem:s31], [sflag:$0x2] =	stream.indirect_vreg.gather [hbm4b:s7+s3], $0x80, v3, vm0, $0xb8;
	[tilespmem:$0x18100] =	vst v63  }
0x163: {  	s31 =	simm.s32 $0xE900  }
0x164: {  	[tilespmem:s31], [sflag:$0x2] =	stream.indirect_vreg.gather [hbm4b:s8+s3], $0x80, v3, vm0, $0xb8;
	[tilespmem:$0x18100] =	vst v63  }
0x165: {  	s31 =	simm.s32 $0xF100  }
0x166: {  	[tilespmem:s31], [sflag:$0x2] =	stream.indirect_vreg.gather [hbm4b:s9+s3], $0x80, v3, vm0, $0xb8;
	[tilespmem:$0x18100] =	vst v63  }
0x167: {  	s31 =	simm.s32 $0xF900  }
0x168: {  	[tilespmem:s31], [sflag:$0x2] =	stream.indirect_vreg.gather [hbm4b:s10+s3], $0x80, v3, vm0, $0xb8;
	[tilespmem:$0x18100] =	vst v63  }
0x169: {  	_ =	swait.ge [sflag:s28], $0x8000  }
0x16a: {  	[sflag:s28] =	ssyncset.done $0x0  }
0x16b: {  	s12 =	rddreg [dreg:$0x9];
	[sflag:s28] =	ssyncadd.s32 $0xFFFF8000  }
0x16c: {  	[hbm4b:s12+s3] =	stream.linear.scatter [tilespmem:s0], [sflag:$0x6], $0x8000, $0x38;
	[tilespmem:$0x18100] =	vst v63  }
0x16d: {  	_ =	swait.ge [sflag:s29], $0x8000  }
0x16e: {  	[sflag:s29] =	ssyncset.done $0x0  }
0x16f: {  	[sflag:s29] =	ssyncadd.s32 $0xFFFF8000  }
0x170: {  	v3 =	vld [tilespmem:$0x80];
	_ =	sdelay $0x4  }
0x171: {  	v63 =	vshll.u32 v3, $0x4  }
0x172: {  	v3 =	vand.u32 $0x7, v3;
	v4 =	vand.u32 $0xFFFFFF80, v63  }
0x173: {  	v3 =	vor.u32 v3, v4  }
0x174: {  	v4 =	vperm.xlane v3, v0;
	_ =	sdelay $0x1  }
0x175: {  	v4 =	vadd.s32 v1, v4;
	_ =	sdelay $0x4  }
0x176: {  	[tilespmem:s0], [sflag:$0x3] =	stream.indirect_vreg.gather [hbm4b:s2+s3], $0x80, v4, vm0, $0xb8;
	[tilespmem:$0x18100] =	vst v63  }
0x177: {  	s31 =	simm.s32 $0x10900  }
0x178: {  	[tilespmem:s31], [sflag:$0x3] =	stream.indirect_vreg.gather [hbm4b:s4+s3], $0x80, v4, vm0, $0xb8;
	[tilespmem:$0x18100] =	vst v63  }
0x179: {  	s31 =	simm.s32 $0x11100  }
0x17a: {  	[tilespmem:s31], [sflag:$0x3] =	stream.indirect_vreg.gather [hbm4b:s5+s3], $0x80, v4, vm0, $0xb8;
	[tilespmem:$0x18100] =	vst v63  }
0x17b: {  	s31 =	simm.s32 $0x11900  }
0x17c: {  	[tilespmem:s31], [sflag:$0x3] =	stream.indirect_vreg.gather [hbm4b:s6+s3], $0x80, v4, vm0, $0xb8;
	[tilespmem:$0x18100] =	vst v63  }
0x17d: {  	s31 =	simm.s32 $0x12100  }
0x17e: {  	[tilespmem:s31], [sflag:$0x3] =	stream.indirect_vreg.gather [hbm4b:s7+s3], $0x80, v4, vm0, $0xb8;
	[tilespmem:$0x18100] =	vst v63  }
0x17f: {  	v3 =	vperm.xlane v3, v2;
	s31 =	simm.s32 $0x12900  }
0x180: {  	[tilespmem:s31], [sflag:$0x3] =	stream.indirect_vreg.gather [hbm4b:s8+s3], $0x80, v4, vm0, $0xb8;
	[tilespmem:$0x18100] =	vst v63  }
0x181: {  	v3 =	vadd.s32 v1, v3;
	s31 =	simm.s32 $0x13100  }
0x182: {  	[tilespmem:s31], [sflag:$0x3] =	stream.indirect_vreg.gather [hbm4b:s9+s3], $0x80, v4, vm0, $0xb8;
	[tilespmem:$0x18100] =	vst v63  }
0x183: {  	s31 =	simm.s32 $0x13900  }
0x184: {  	[tilespmem:s31], [sflag:$0x3] =	stream.indirect_vreg.gather [hbm4b:s10+s3], $0x80, v4, vm0, $0xb8;
	[tilespmem:$0x18100] =	vst v63  }
0x185: {  	s31 =	simm.s32 $0x14100  }
0x186: {  	[tilespmem:s31], [sflag:$0x3] =	stream.indirect_vreg.gather [hbm4b:s2+s3], $0x80, v3, vm0, $0xb8;
	[tilespmem:$0x18100] =	vst v63  }
0x187: {  	s31 =	simm.s32 $0x14900  }
0x188: {  	[tilespmem:s31], [sflag:$0x3] =	stream.indirect_vreg.gather [hbm4b:s4+s3], $0x80, v3, vm0, $0xb8;
	[tilespmem:$0x18100] =	vst v63  }
0x189: {  	s31 =	simm.s32 $0x15100  }
0x18a: {  	[tilespmem:s31], [sflag:$0x3] =	stream.indirect_vreg.gather [hbm4b:s5+s3], $0x80, v3, vm0, $0xb8;
	[tilespmem:$0x18100] =	vst v63  }
0x18b: {  	s31 =	simm.s32 $0x15900  }
0x18c: {  	[tilespmem:s31], [sflag:$0x3] =	stream.indirect_vreg.gather [hbm4b:s6+s3], $0x80, v3, vm0, $0xb8;
	[tilespmem:$0x18100] =	vst v63  }
0x18d: {  	s31 =	simm.s32 $0x16100  }
0x18e: {  	[tilespmem:s31], [sflag:$0x3] =	stream.indirect_vreg.gather [hbm4b:s7+s3], $0x80, v3, vm0, $0xb8;
	[tilespmem:$0x18100] =	vst v63  }
0x18f: {  	s31 =	simm.s32 $0x16900  }
0x190: {  	[tilespmem:s31], [sflag:$0x3] =	stream.indirect_vreg.gather [hbm4b:s8+s3], $0x80, v3, vm0, $0xb8;
	[tilespmem:$0x18100] =	vst v63  }
0x191: {  	s31 =	simm.s32 $0x17100  }
0x192: {  	[tilespmem:s31], [sflag:$0x3] =	stream.indirect_vreg.gather [hbm4b:s9+s3], $0x80, v3, vm0, $0xb8;
	[tilespmem:$0x18100] =	vst v63  }
0x193: {  	s31 =	simm.s32 $0x17900  }
0x194: {  	[tilespmem:s31], [sflag:$0x3] =	stream.indirect_vreg.gather [hbm4b:s10+s3], $0x80, v3, vm0, $0xb8;
	[tilespmem:$0x18100] =	vst v63  }
0x195: {  	_ =	swait.ge [sflag:s22], $0x8000  }
0x196: {  	[sflag:s22] =	ssyncset.done $0x0  }
0x197: {  	s12 =	rddreg [dreg:$0xa];
	[sflag:s22] =	ssyncadd.s32 $0xFFFF8000  }
0x198: {  	[hbm4b:s12+s3] =	stream.linear.scatter [tilespmem:s30], [sflag:$0x4], $0x8000, $0x38;
	[tilespmem:$0x18100] =	vst v63  }
0x199: {  	_ =	swait.ge [sflag:s24], $0x8000  }
0x19a: {  	[sflag:s24] =	ssyncset.done $0x0  }
0x19b: {  	s12 =	rddreg [dreg:$0xb];
	[sflag:s24] =	ssyncadd.s32 $0xFFFF8000  }
0x19c: {  	[hbm4b:s12+s3] =	stream.linear.scatter [tilespmem:s1], [sflag:$0x5], $0x8000, $0x38;
	[tilespmem:$0x18100] =	vst v63  }
0x19d: {  	_ =	swait.ge [sflag:s28], $0x8000  }
0x19e: {  	[sflag:s28] =	ssyncset.done $0x0  }
0x19f: {  	s12 =	rddreg [dreg:$0xc];
	[sflag:s28] =	ssyncadd.s32 $0xFFFF8000  }
0x1a0: {  	[hbm4b:s12+s3] =	stream.linear.scatter [tilespmem:s0], [sflag:$0x6], $0x8000, $0x38;
	[tilespmem:$0x18100] =	vst v63  }
0x1a1: {  	_ =	swait.ge [sflag:s23], $0x8000  }
0x1a2: {  	[sflag:s23] =	ssyncset.done $0x0  }
0x1a3: {  	[sflag:s23] =	ssyncadd.s32 $0xFFFF8000  }
0x1a4: {  	p0 =	sne.s32 s11, $0x1;
	_ =	swait.ge [sflag:s26], $0x8000  }
.Ltmp0:
0x1a5: {  	[sflag:s26] =	ssyncset.done $0x0;
	(pc) =	sbr.rel @p0 .LBB2_1-.Ltmp0, $4  }
0x1a6: {  	[sflag:s26] =	ssyncadd.s32 $0xFFFF8000  }
0x1a7: {  	_ =	swait.ge [sflag:s29], $0x8000  }
0x1a8: {  	[sflag:s29] =	ssyncset.done $0x0  }
0x1a9: {  	s11 =	sadd.s32 $0xFFFFFFFF, s11;
	[sflag:s29] =	ssyncadd.s32 $0xFFFF8000  }
0x1aa: {  	_ =	sfence.sel $0x180000  }
0x1ab: {  	[bflag:$0x0] =	sbarrier.arrive $0xFFFF  }
0x1ac: {  	_ =	strace $0x9000004A  }
0x1ad: {  	s0 =	stileid.u32;
	[bflag:$0x2] =	sbarrier.arrive $0xFFFF  }
0x1ae: {  	p0 =	sne.s32 s0, $0x0;
	s0 =	rddreg [dreg:$0x2]  }
0x1af: {  	s0 =	sadd.s32 @!p0 $0x100000, s0  }
0x1b0: {  	[sflag:s0] =	ssyncadd.tile.s32 @!p0 $0x1;
	_ =	shalt  }
.Lfunc_end2:
_tile_overlayer_lowered:
.L_overlay_start_2:
0x1b1: {  	(tag) =	ssettag $0x2  }
0x1b2: {  	s0 =	rddreg [dreg:$0x0];
	s2 =	stileid.u32  }
0x1b3: {  	s1 =	rddreg [dreg:$0x1];
	p0 =	sne.s32 s2, $0x0  }
0x1b4: {  	s3 =	rddreg [dreg:$0x2];
	[bflag:$0x3] =	sbarrier.arrive $0xFFFF;
	s2 =	simm.s32 @!p0 $0x1C07  }
0x1b5: {  	[timem:s3], [sflag:s2] =	dma.local @!p0 [hbm:s0], s1  }
0x1b6: {  	s0 =	simm.s32 @!p0 $0x7  }
0x1b7: {  	_ =	swait.ge @!p0 [sflag:s0], s1  }
0x1b8: {  	s1 =	ssub.s32 @!p0 $0x0, s1;
	[sflag:s0] =	ssyncset.done @!p0 $0x0  }
0x1b9: {  	[sflag:s0] =	ssyncadd.s32 @!p0 s1  }
0x1ba: {  	[bflag:$0x3] =	sbarrier.arrive $0xFFFF  }
0x1bb: {  	_ =	shalt  }

</sc_bundles>
